<compile_context>
chip_gen: v7x
topology: tpu7x:2x2x1
jax: 0.10.2.dev20260603
libtpu: 0.0.44.dev20260713+nightly
codegen_flags: <defaults>
</compile_context>

<pallas_src>
import functools

import jax
import jax.numpy as jnp
from jax import lax
from jax.experimental import pallas as pl
from jax.experimental.pallas import tpu as pltpu
from jax.experimental.pallas import tpu_sc as plsc

EPS = 1e-5




def _ln_body(table_ref, gamma_ref, beta_ref, out_ref):
    x = table_ref[...]
    mean = jnp.mean(x, axis=-1, keepdims=True)
    xc = x - mean
    var = jnp.mean(xc * xc, axis=-1, keepdims=True)
    inv = lax.rsqrt(var + EPS)
    out_ref[...] = xc * inv * gamma_ref[...] + beta_ref[...]


def _ln_table(table, gamma, beta):
    v, d = table.shape
    block_rows = 10000
    assert v % block_rows == 0
    grid = (v // block_rows,)
    return pl.pallas_call(
        _ln_body,
        grid=grid,
        in_specs=[
            pl.BlockSpec((block_rows, d), lambda i: (i, 0)),
            pl.BlockSpec((1, d), lambda i: (0, 0)),
            pl.BlockSpec((1, d), lambda i: (0, 0)),
        ],
        out_specs=pl.BlockSpec((block_rows, d), lambda i: (i, 0)),
        out_shape=jax.ShapeDtypeStruct((v, d), jnp.float32),
    )(table, gamma.reshape(1, d), beta.reshape(1, d))



_GCHUNK = 128
_NBUF = 5
_PREF = 3


def _make_sc_gather(ntok, v, d):
    info = plsc.get_sparse_core_info()
    nw = info.num_cores * info.num_subcores
    assert ntok % (nw * _GCHUNK) == 0
    tw = ntok // nw
    ng = tw // _GCHUNK
    assert ng % _NBUF == 0
    mesh = plsc.VectorSubcoreMesh(core_axis_name="c", subcore_axis_name="s")

    @functools.partial(
        pl.kernel,
        mesh=mesh,
        out_type=jax.ShapeDtypeStruct((ntok, d), jnp.float32),
        scratch_types=[
            pltpu.VMEM((tw,), jnp.int32),
            pltpu.VMEM((_NBUF, _GCHUNK, d), jnp.float32),
            pltpu.SemaphoreType.DMA,
            pltpu.SemaphoreType.DMA,
        ],
    )
    def gather_kernel(tbl_hbm, ids_hbm, out_hbm, idx_v, rows_v, gsem, wsem):
        wid = lax.axis_index("s") * info.num_cores + lax.axis_index("c")
        base = wid * tw
        pltpu.sync_copy(ids_hbm.at[pl.ds(base, tw)], idx_v)

        def start_gather(g, b):
            pltpu.async_copy(
                tbl_hbm.at[idx_v.at[pl.ds(g * _GCHUNK, _GCHUNK)]],
                rows_v.at[b],
                gsem,
            )

        def start_write(g, b):
            pltpu.async_copy(
                rows_v.at[b],
                out_hbm.at[pl.ds(base + g * _GCHUNK, _GCHUNK)],
                wsem,
            )

        def wait_gather(b):
            pltpu.make_async_copy(tbl_hbm.at[idx_v.at[pl.ds(0, _GCHUNK)]],
                                  rows_v.at[b], gsem).wait()

        def wait_write(b):
            pltpu.make_async_copy(rows_v.at[b],
                                  out_hbm.at[pl.ds(base, _GCHUNK)], wsem).wait()

        for b in range(_PREF):
            start_gather(b, b)

        def outer(i, _):
            g0 = i * _NBUF
            for b in range(_NBUF):
                g = g0 + b
                wait_gather(b)
                start_write(g, b)
                j = g + _PREF
                bj = (b + _PREF) % _NBUF

                @pl.when(jnp.logical_and(j < ng, j >= _NBUF))
                def _():
                    wait_write(bj)
                    start_gather(j, bj)

                @pl.when(jnp.logical_and(j < ng, j < _NBUF))
                def _():
                    start_gather(j, bj)

            return 0

        lax.fori_loop(0, ng // _NBUF, outer, 0)
        for _ in range(min(_NBUF, ng)):
            wait_write(0)

    return gather_kernel




def kernel(input_ids, table, gamma, beta):
    b, s = input_ids.shape
    v, d = table.shape
    normed = _ln_table(table, gamma, beta)
    ids_flat = input_ids.reshape(-1).astype(jnp.int32)
    out = _make_sc_gather(b * s, v, d)(normed, ids_flat)
    return out.reshape(b, s, d)

# --- scband reference (transcript-rebuilt; emitter-appended) ---
"""Pipeline reference for scband-bertembeddings-154618823062 (READ-ONLY COPY).

The authoritative reference and input builder live on the scoring server;
editing this copy changes nothing except your own understanding.
"""

import jax, jax.numpy as jnp
import numpy as np

VOCAB = 100000
D_MODEL = 128
BATCH = 1024
SEQ = 200
EPS = 1e-5


def setup_inputs(seed: int = 0) -> dict:
    key = jax.random.key(seed)
    k1, k2 = jax.random.split(key, 2)
    input_ids = jax.random.randint(k1, (BATCH, SEQ), 0, VOCAB, dtype=jnp.int64) if jax.config.jax_enable_x64 else jax.random.randint(k1, (BATCH, SEQ), 0, VOCAB, dtype=jnp.int32)
    table = jax.random.normal(k2, (VOCAB, D_MODEL), dtype=jnp.float32) * 0.02
    # padding_idx=0 -> row 0 is zero
    table = table.at[0].set(0.0)
    gamma = jnp.ones((D_MODEL,), dtype=jnp.float32)
    beta = jnp.zeros((D_MODEL,), dtype=jnp.float32)
    return {"input_ids": input_ids, "table": table, "gamma": gamma, "beta": beta}


def reference(input_ids, table, gamma, beta):
    # word embedding lookup (gather)
    emb = jnp.take(table, input_ids, axis=0)
    # LayerNorm over last dim (eps=1e-5, torch default)
    mean = jnp.mean(emb, axis=-1, keepdims=True)
    var = jnp.var(emb, axis=-1, keepdims=True)
    normed = (emb - mean) / jnp.sqrt(var + EPS)
    out = normed * gamma + beta
    # dropout is identity in eval mode
    return out

if __name__ == "__main__":
    import jax
    _d = setup_inputs()
    print(jax.jit(kernel)(*tuple(_d.values())))

</pallas_src>

<mosaic_0001>
#map = affine_map<(d0, d1) -> (0, 0)>
#map1 = affine_map<(d0, d1) -> (0)>
module attributes {stable_mosaic.version = 14 : i64} {
  func.func @gather_kernel(%arg0: i32, %arg1: i32, %arg2: memref<100000x128xf32, #tpu.memory_space<hbm>>, %arg3: memref<204800xi32, #tpu.memory_space<hbm>>, %arg4: memref<204800x128xf32, #tpu.memory_space<hbm>>, %arg5: memref<6400xi32, #tpu.memory_space<vmem>>, %arg6: memref<5x128x128xf32, #tpu.memory_space<vmem>>, %arg7: memref<!tpu.dma_semaphore, #tpu.memory_space<semaphore_mem>>, %arg8: memref<!tpu.dma_semaphore, #tpu.memory_space<semaphore_mem>>) attributes {dimension_semantics = [#tpu.dimension_semantics<core_parallel>, #tpu.dimension_semantics<subcore_parallel>], iteration_bounds = array<i64: 2, 16>, scalar_prefetch = 0 : i64, scratch_operands = 4 : i64, tpu.core_type = #tpu.core_type<sc_vector_subcore>, window_params = [{transform_indices = #map}, {transform_indices = #map1}, {transform_indices = #map}]} {
    %mul3A = arith.constant 2 : i32
    %mul3A_0 = arith.muli %arg1, %mul3A : i32
    %add3A = arith.addi %mul3A_0, %arg0 : i32
    %mul3A_1 = arith.constant 6400 : i32
    %mul3A_2 = arith.muli %add3A, %mul3A_1 : i32
    "tpu.region"() ({
      %run_scoped3A = tpu.sem_alloc : memref<!tpu.dma_semaphore, #tpu.memory_space<semaphore_mem>>
      %dma_start3A_102 = tpu.memref_slice %arg3[%mul3A_2] : memref<204800xi32, #tpu.memory_space<hbm>> -> memref<6400xi32, #tpu.memory_space<hbm>>
      %dma_start3A_103 = tpu.memref_slice %arg3[%mul3A_2] : memref<204800xi32, #tpu.memory_space<hbm>> -> memref<6400xi32, #tpu.memory_space<hbm>>
      tpu.enqueue_dma source(%dma_start3A_103 : memref<6400xi32, #tpu.memory_space<hbm>>) target(%arg5 : memref<6400xi32, #tpu.memory_space<vmem>>) target_semaphore(%run_scoped3A : memref<!tpu.dma_semaphore, #tpu.memory_space<semaphore_mem>>)
      %dma_wait3A_104 = tpu.memref_slice %arg3[%mul3A_2] : memref<204800xi32, #tpu.memory_space<hbm>> -> memref<6400xi32, #tpu.memory_space<hbm>>
      %dma_wait3A_105 = tpu.memref_slice %arg3[%mul3A_2] : memref<204800xi32, #tpu.memory_space<hbm>> -> memref<6400xi32, #tpu.memory_space<hbm>>
      tpu.wait_dma2 semaphore(%run_scoped3A : memref<!tpu.dma_semaphore, #tpu.memory_space<semaphore_mem>>) src(%dma_wait3A_105 : memref<6400xi32, #tpu.memory_space<hbm>>) dst(%arg5 : memref<6400xi32, #tpu.memory_space<vmem>>)
      tpu.yield
    }) : () -> ()
    %dma_start3A = arith.constant 0 : i32
    %dma_start3A_3 = arith.constant 0 : i32
    %dma_start3A_4 = arith.constant 0 : i32
    %dma_start3A_5 = tpu.memref_slice %arg6[%dma_start3A, %dma_start3A_3, %dma_start3A_4] : memref<5x128x128xf32, #tpu.memory_space<vmem>> -> memref<1x128x128xf32, #tpu.memory_space<vmem>>
    %dma_start3A_6 = tpu.memref_squeeze %dma_start3A_5 : memref<1x128x128xf32, #tpu.memory_space<vmem>> -> memref<128x128xf32, #tpu.memory_space<vmem>>
    %dma_start3A_7 = arith.constant 0 : i32
    %dma_start3A_8 = tpu.memref_slice %arg5[%dma_start3A_7] : memref<6400xi32, #tpu.memory_space<vmem>> -> memref<128xi32, #tpu.memory_space<vmem>>
    %dma_start3A_9 = arith.constant 0 : i32
    %dma_start3A_10 = arith.constant 0 : i32
    %dma_start3A_11 = tpu.memref_slice %arg2[%dma_start3A_9, %dma_start3A_10] : memref<100000x128xf32, #tpu.memory_space<hbm>> -> memref<100000x128xf32, #tpu.memory_space<hbm>>
    tpu.enqueue_indirect_dma source(%dma_start3A_11 : memref<100000x128xf32, #tpu.memory_space<hbm>>) target(%dma_start3A_6 : memref<128x128xf32, #tpu.memory_space<vmem>>) offsets(%dma_start3A_8 : memref<128xi32, #tpu.memory_space<vmem>>) semaphore(%arg7 : memref<!tpu.dma_semaphore, #tpu.memory_space<semaphore_mem>>)
    %dma_start3A_12 = arith.constant 1 : i32
    %dma_start3A_13 = arith.constant 0 : i32
    %dma_start3A_14 = arith.constant 0 : i32
    %dma_start3A_15 = tpu.memref_slice %arg6[%dma_start3A_12, %dma_start3A_13, %dma_start3A_14] : memref<5x128x128xf32, #tpu.memory_space<vmem>> -> memref<1x128x128xf32, #tpu.memory_space<vmem>>
    %dma_start3A_16 = tpu.memref_squeeze %dma_start3A_15 : memref<1x128x128xf32, #tpu.memory_space<vmem>> -> memref<128x128xf32, #tpu.memory_space<vmem>>
    %dma_start3A_17 = arith.constant 128 : i32
    %dma_start3A_18 = tpu.memref_slice %arg5[%dma_start3A_17] : memref<6400xi32, #tpu.memory_space<vmem>> -> memref<128xi32, #tpu.memory_space<vmem>>
    %dma_start3A_19 = arith.constant 0 : i32
    %dma_start3A_20 = arith.constant 0 : i32
    %dma_start3A_21 = tpu.memref_slice %arg2[%dma_start3A_19, %dma_start3A_20] : memref<100000x128xf32, #tpu.memory_space<hbm>> -> memref<100000x128xf32, #tpu.memory_space<hbm>>
    tpu.enqueue_indirect_dma source(%dma_start3A_21 : memref<100000x128xf32, #tpu.memory_space<hbm>>) target(%dma_start3A_16 : memref<128x128xf32, #tpu.memory_space<vmem>>) offsets(%dma_start3A_18 : memref<128xi32, #tpu.memory_space<vmem>>) semaphore(%arg7 : memref<!tpu.dma_semaphore, #tpu.memory_space<semaphore_mem>>)
    %dma_start3A_22 = arith.constant 2 : i32
    %dma_start3A_23 = arith.constant 0 : i32
    %dma_start3A_24 = arith.constant 0 : i32
    %dma_start3A_25 = tpu.memref_slice %arg6[%dma_start3A_22, %dma_start3A_23, %dma_start3A_24] : memref<5x128x128xf32, #tpu.memory_space<vmem>> -> memref<1x128x128xf32, #tpu.memory_space<vmem>>
    %dma_start3A_26 = tpu.memref_squeeze %dma_start3A_25 : memref<1x128x128xf32, #tpu.memory_space<vmem>> -> memref<128x128xf32, #tpu.memory_space<vmem>>
    %dma_start3A_27 = arith.constant 256 : i32
    %dma_start3A_28 = tpu.memref_slice %arg5[%dma_start3A_27] : memref<6400xi32, #tpu.memory_space<vmem>> -> memref<128xi32, #tpu.memory_space<vmem>>
    %dma_start3A_29 = arith.constant 0 : i32
    %dma_start3A_30 = arith.constant 0 : i32
    %dma_start3A_31 = tpu.memref_slice %arg2[%dma_start3A_29, %dma_start3A_30] : memref<100000x128xf32, #tpu.memory_space<hbm>> -> memref<100000x128xf32, #tpu.memory_space<hbm>>
    tpu.enqueue_indirect_dma source(%dma_start3A_31 : memref<100000x128xf32, #tpu.memory_space<hbm>>) target(%dma_start3A_26 : memref<128x128xf32, #tpu.memory_space<vmem>>) offsets(%dma_start3A_28 : memref<128xi32, #tpu.memory_space<vmem>>) semaphore(%arg7 : memref<!tpu.dma_semaphore, #tpu.memory_space<semaphore_mem>>)
    %scan3A = arith.constant 0 : i32
    %scan3A_32 = arith.constant 0 : i32
    %scan3A_33 = arith.constant 10 : i32
    %scan3A_34 = arith.addi %scan3A_32, %scan3A_33 : i32
    %scan3A_35 = arith.constant 1 : i32
    %scan3A_36 = scf.for %scan3A_102 = %scan3A_32 to %scan3A_34 step %scan3A_35 iter_args(%scan3A_103 = %scan3A) -> (i32)  : i32 {
      %mul3A_104 = arith.constant 5 : i32
      %mul3A_105 = arith.muli %scan3A_102, %mul3A_104 : i32
      %add3A_106 = arith.constant 0 : i32
      %add3A_107 = arith.addi %mul3A_105, %add3A_106 : i32
      %dma_wait3A_108 = arith.constant 0 : i32
      %dma_wait3A_109 = arith.constant 0 : i32
      %dma_wait3A_110 = arith.constant 0 : i32
      %dma_wait3A_111 = tpu.memref_slice %arg6[%dma_wait3A_108, %dma_wait3A_109, %dma_wait3A_110] : memref<5x128x128xf32, #tpu.memory_space<vmem>> -> memref<1x128x128xf32, #tpu.memory_space<vmem>>
      %dma_wait3A_112 = tpu.memref_squeeze %dma_wait3A_111 : memref<1x128x128xf32, #tpu.memory_space<vmem>> -> memref<128x128xf32, #tpu.memory_space<vmem>>
      %dma_wait3A_113 = arith.constant 0 : i32
      %dma_wait3A_114 = tpu.memref_slice %arg5[%dma_wait3A_113] : memref<6400xi32, #tpu.memory_space<vmem>> -> memref<128xi32, #tpu.memory_space<vmem>>
      %dma_wait3A_115 = arith.constant 0 : i32
      %dma_wait3A_116 = arith.constant 0 : i32
      %dma_wait3A_117 = tpu.memref_slice %arg2[%dma_wait3A_115, %dma_wait3A_116] : memref<100000x128xf32, #tpu.memory_space<hbm>> -> memref<100000x128xf32, #tpu.memory_space<hbm>>
      tpu.wait_indirect_dma semaphore(%arg7 : memref<!tpu.dma_semaphore, #tpu.memory_space<semaphore_mem>>) src(%dma_wait3A_117 : memref<100000x128xf32, #tpu.memory_space<hbm>>) dst(%dma_wait3A_112 : memref<128x128xf32, #tpu.memory_space<vmem>>)
      %mul3A_118 = arith.constant 128 : i32
      %mul3A_119 = arith.muli %add3A_107, %mul3A_118 : i32
      %add3A_120 = arith.addi %mul3A_2, %mul3A_119 : i32
      %dma_start3A_121 = arith.constant 0 : i32
      %dma_start3A_122 = arith.constant 0 : i32
      %dma_start3A_123 = arith.constant 0 : i32
      %dma_start3A_124 = tpu.memref_slice %arg6[%dma_start3A_121, %dma_start3A_122, %dma_start3A_123] : memref<5x128x128xf32, #tpu.memory_space<vmem>> -> memref<1x128x128xf32, #tpu.memory_space<vmem>>
      %dma_start3A_125 = tpu.memref_squeeze %dma_start3A_124 : memref<1x128x128xf32, #tpu.memory_space<vmem>> -> memref<128x128xf32, #tpu.memory_space<vmem>>
      %dma_start3A_126 = arith.constant 0 : i32
      %dma_start3A_127 = tpu.memref_slice %arg4[%add3A_120, %dma_start3A_126] : memref<204800x128xf32, #tpu.memory_space<hbm>> -> memref<128x128xf32, #tpu.memory_space<hbm>>
      %dma_start3A_128 = arith.constant 0 : i32
      %dma_start3A_129 = tpu.memref_slice %arg4[%add3A_120, %dma_start3A_128] : memref<204800x128xf32, #tpu.memory_space<hbm>> -> memref<128x128xf32, #tpu.memory_space<hbm>>
      %dma_start3A_130 = arith.constant 0 : i32
      %dma_start3A_131 = arith.constant 0 : i32
      %dma_start3A_132 = tpu.memref_slice %arg6[%dma_start3A_121, %dma_start3A_130, %dma_start3A_131] : memref<5x128x128xf32, #tpu.memory_space<vmem>> -> memref<1x128x128xf32, #tpu.memory_space<vmem>>
      %dma_start3A_133 = tpu.memref_squeeze %dma_start3A_132 : memref<1x128x128xf32, #tpu.memory_space<vmem>> -> memref<128x128xf32, #tpu.memory_space<vmem>>
      tpu.enqueue_dma source(%dma_start3A_133 : memref<128x128xf32, #tpu.memory_space<vmem>>) target(%dma_start3A_129 : memref<128x128xf32, #tpu.memory_space<hbm>>) target_semaphore(%arg8 : memref<!tpu.dma_semaphore, #tpu.memory_space<semaphore_mem>>)
      %add3A_134 = arith.constant 3 : i32
      %add3A_135 = arith.addi %add3A_107, %add3A_134 : i32
      %lt3A = arith.constant 50 : i32
      %lt3A_136 = arith.cmpi slt, %add3A_135, %lt3A : i32
      %ge3A = arith.constant 5 : i32
      %ge3A_137 = arith.cmpi sge, %add3A_135, %ge3A : i32
      %and3A = arith.andi %lt3A_136, %ge3A_137 : i1
      %convert_element_type3A = arith.extui %and3A : i1 to i32
      %cond3A = arith.constant 0 : i32
      %cond3A_138 = arith.cmpi ne, %convert_element_type3A, %cond3A : i32
      scf.if %cond3A_138 {
        %dma_wait3A_332 = arith.constant 3 : i32
        %dma_wait3A_333 = arith.constant 0 : i32
        %dma_wait3A_334 = arith.constant 0 : i32
        %dma_wait3A_335 = tpu.memref_slice %arg6[%dma_wait3A_332, %dma_wait3A_333, %dma_wait3A_334] : memref<5x128x128xf32, #tpu.memory_space<vmem>> -> memref<1x128x128xf32, #tpu.memory_space<vmem>>
        %dma_wait3A_336 = tpu.memref_squeeze %dma_wait3A_335 : memref<1x128x128xf32, #tpu.memory_space<vmem>> -> memref<128x128xf32, #tpu.memory_space<vmem>>
        %dma_wait3A_337 = arith.constant 0 : i32
        %dma_wait3A_338 = tpu.memref_slice %arg4[%mul3A_2, %dma_wait3A_337] : memref<204800x128xf32, #tpu.memory_space<hbm>> -> memref<128x128xf32, #tpu.memory_space<hbm>>
        %dma_wait3A_339 = arith.constant 0 : i32
        %dma_wait3A_340 = tpu.memref_slice %arg4[%mul3A_2, %dma_wait3A_339] : memref<204800x128xf32, #tpu.memory_space<hbm>> -> memref<128x128xf32, #tpu.memory_space<hbm>>
        %dma_wait3A_341 = arith.constant 0 : i32
        %dma_wait3A_342 = arith.constant 0 : i32
        %dma_wait3A_343 = tpu.memref_slice %arg6[%dma_wait3A_332, %dma_wait3A_341, %dma_wait3A_342] : memref<5x128x128xf32, #tpu.memory_space<vmem>> -> memref<1x128x128xf32, #tpu.memory_space<vmem>>
        %dma_wait3A_344 = tpu.memref_squeeze %dma_wait3A_343 : memref<1x128x128xf32, #tpu.memory_space<vmem>> -> memref<128x128xf32, #tpu.memory_space<vmem>>
        tpu.wait_dma2 semaphore(%arg8 : memref<!tpu.dma_semaphore, #tpu.memory_space<semaphore_mem>>) src(%dma_wait3A_344 : memref<128x128xf32, #tpu.memory_space<vmem>>) dst(%dma_wait3A_340 : memref<128x128xf32, #tpu.memory_space<hbm>>)
        %mul3A_345 = arith.constant 128 : i32
        %mul3A_346 = arith.muli %add3A_135, %mul3A_345 : i32
        %dma_start3A_347 = arith.constant 3 : i32
        %dma_start3A_348 = arith.constant 0 : i32
        %dma_start3A_349 = arith.constant 0 : i32
        %dma_start3A_350 = tpu.memref_slice %arg6[%dma_start3A_347, %dma_start3A_348, %dma_start3A_349] : memref<5x128x128xf32, #tpu.memory_space<vmem>> -> memref<1x128x128xf32, #tpu.memory_space<vmem>>
        %dma_start3A_351 = tpu.memref_squeeze %dma_start3A_350 : memref<1x128x128xf32, #tpu.memory_space<vmem>> -> memref<128x128xf32, #tpu.memory_space<vmem>>
        %dma_start3A_352 = tpu.memref_slice %arg5[%mul3A_346] : memref<6400xi32, #tpu.memory_space<vmem>> -> memref<128xi32, #tpu.memory_space<vmem>>
        %dma_start3A_353 = arith.constant 0 : i32
        %dma_start3A_354 = arith.constant 0 : i32
        %dma_start3A_355 = tpu.memref_slice %arg2[%dma_start3A_353, %dma_start3A_354] : memref<100000x128xf32, #tpu.memory_space<hbm>> -> memref<100000x128xf32, #tpu.memory_space<hbm>>
        tpu.enqueue_indirect_dma source(%dma_start3A_355 : memref<100000x128xf32, #tpu.memory_space<hbm>>) target(%dma_start3A_351 : memref<128x128xf32, #tpu.memory_space<vmem>>) offsets(%dma_start3A_352 : memref<128xi32, #tpu.memory_space<vmem>>) semaphore(%arg7 : memref<!tpu.dma_semaphore, #tpu.memory_space<semaphore_mem>>)
      } else {
      }
      %lt3A_139 = arith.constant 50 : i32
      %lt3A_140 = arith.cmpi slt, %add3A_135, %lt3A_139 : i32
      %lt3A_141 = arith.constant 5 : i32
      %lt3A_142 = arith.cmpi slt, %add3A_135, %lt3A_141 : i32
      %and3A_143 = arith.andi %lt3A_140, %lt3A_142 : i1
      %convert_element_type3A_144 = arith.extui %and3A_143 : i1 to i32
      %cond3A_145 = arith.constant 0 : i32
      %cond3A_146 = arith.cmpi ne, %convert_element_type3A_144, %cond3A_145 : i32
      scf.if %cond3A_146 {
        %mul3A_332 = arith.constant 128 : i32
        %mul3A_333 = arith.muli %add3A_135, %mul3A_332 : i32
        %dma_start3A_334 = arith.constant 3 : i32
        %dma_start3A_335 = arith.constant 0 : i32
        %dma_start3A_336 = arith.constant 0 : i32
        %dma_start3A_337 = tpu.memref_slice %arg6[%dma_start3A_334, %dma_start3A_335, %dma_start3A_336] : memref<5x128x128xf32, #tpu.memory_space<vmem>> -> memref<1x128x128xf32, #tpu.memory_space<vmem>>
        %dma_start3A_338 = tpu.memref_squeeze %dma_start3A_337 : memref<1x128x128xf32, #tpu.memory_space<vmem>> -> memref<128x128xf32, #tpu.memory_space<vmem>>
        %dma_start3A_339 = tpu.memref_slice %arg5[%mul3A_333] : memref<6400xi32, #tpu.memory_space<vmem>> -> memref<128xi32, #tpu.memory_space<vmem>>
        %dma_start3A_340 = arith.constant 0 : i32
        %dma_start3A_341 = arith.constant 0 : i32
        %dma_start3A_342 = tpu.memref_slice %arg2[%dma_start3A_340, %dma_start3A_341] : memref<100000x128xf32, #tpu.memory_space<hbm>> -> memref<100000x128xf32, #tpu.memory_space<hbm>>
        tpu.enqueue_indirect_dma source(%dma_start3A_342 : memref<100000x128xf32, #tpu.memory_space<hbm>>) target(%dma_start3A_338 : memref<128x128xf32, #tpu.memory_space<vmem>>) offsets(%dma_start3A_339 : memref<128xi32, #tpu.memory_space<vmem>>) semaphore(%arg7 : memref<!tpu.dma_semaphore, #tpu.memory_space<semaphore_mem>>)
      } else {
      }
      %add3A_147 = arith.constant 1 : i32
      %add3A_148 = arith.addi %mul3A_105, %add3A_147 : i32
      %dma_wait3A_149 = arith.constant 1 : i32
      %dma_wait3A_150 = arith.constant 0 : i32
      %dma_wait3A_151 = arith.constant 0 : i32
      %dma_wait3A_152 = tpu.memref_slice %arg6[%dma_wait3A_149, %dma_wait3A_150, %dma_wait3A_151] : memref<5x128x128xf32, #tpu.memory_space<vmem>> -> memref<1x128x128xf32, #tpu.memory_space<vmem>>
      %dma_wait3A_153 = tpu.memref_squeeze %dma_wait3A_152 : memref<1x128x128xf32, #tpu.memory_space<vmem>> -> memref<128x128xf32, #tpu.memory_space<vmem>>
      %dma_wait3A_154 = arith.constant 0 : i32
      %dma_wait3A_155 = tpu.memref_slice %arg5[%dma_wait3A_154] : memref<6400xi32, #tpu.memory_space<vmem>> -> memref<128xi32, #tpu.memory_space<vmem>>
      %dma_wait3A_156 = arith.constant 0 : i32
      %dma_wait3A_157 = arith.constant 0 : i32
      %dma_wait3A_158 = tpu.memref_slice %arg2[%dma_wait3A_156, %dma_wait3A_157] : memref<100000x128xf32, #tpu.memory_space<hbm>> -> memref<100000x128xf32, #tpu.memory_space<hbm>>
      tpu.wait_indirect_dma semaphore(%arg7 : memref<!tpu.dma_semaphore, #tpu.memory_space<semaphore_mem>>) src(%dma_wait3A_158 : memref<100000x128xf32, #tpu.memory_space<hbm>>) dst(%dma_wait3A_153 : memref<128x128xf32, #tpu.memory_space<vmem>>)
      %mul3A_159 = arith.constant 128 : i32
      %mul3A_160 = arith.muli %add3A_148, %mul3A_159 : i32
      %add3A_161 = arith.addi %mul3A_2, %mul3A_160 : i32
      %dma_start3A_162 = arith.constant 1 : i32
      %dma_start3A_163 = arith.constant 0 : i32
      %dma_start3A_164 = arith.constant 0 : i32
      %dma_start3A_165 = tpu.memref_slice %arg6[%dma_start3A_162, %dma_start3A_163, %dma_start3A_164] : memref<5x128x128xf32, #tpu.memory_space<vmem>> -> memref<1x128x128xf32, #tpu.memory_space<vmem>>
      %dma_start3A_166 = tpu.memref_squeeze %dma_start3A_165 : memref<1x128x128xf32, #tpu.memory_space<vmem>> -> memref<128x128xf32, #tpu.memory_space<vmem>>
      %dma_start3A_167 = arith.constant 0 : i32
      %dma_start3A_168 = tpu.memref_slice %arg4[%add3A_161, %dma_start3A_167] : memref<204800x128xf32, #tpu.memory_space<hbm>> -> memref<128x128xf32, #tpu.memory_space<hbm>>
      %dma_start3A_169 = arith.constant 0 : i32
      %dma_start3A_170 = tpu.memref_slice %arg4[%add3A_161, %dma_start3A_169] : memref<204800x128xf32, #tpu.memory_space<hbm>> -> memref<128x128xf32, #tpu.memory_space<hbm>>
      %dma_start3A_171 = arith.constant 0 : i32
      %dma_start3A_172 = arith.constant 0 : i32
      %dma_start3A_173 = tpu.memref_slice %arg6[%dma_start3A_162, %dma_start3A_171, %dma_start3A_172] : memref<5x128x128xf32, #tpu.memory_space<vmem>> -> memref<1x128x128xf32, #tpu.memory_space<vmem>>
      %dma_start3A_174 = tpu.memref_squeeze %dma_start3A_173 : memref<1x128x128xf32, #tpu.memory_space<vmem>> -> memref<128x128xf32, #tpu.memory_space<vmem>>
      tpu.enqueue_dma source(%dma_start3A_174 : memref<128x128xf32, #tpu.memory_space<vmem>>) target(%dma_start3A_170 : memref<128x128xf32, #tpu.memory_space<hbm>>) target_semaphore(%arg8 : memref<!tpu.dma_semaphore, #tpu.memory_space<semaphore_mem>>)
      %add3A_175 = arith.constant 3 : i32
      %add3A_176 = arith.addi %add3A_148, %add3A_175 : i32
      %lt3A_177 = arith.constant 50 : i32
      %lt3A_178 = arith.cmpi slt, %add3A_176, %lt3A_177 : i32
      %ge3A_179 = arith.constant 5 : i32
      %ge3A_180 = arith.cmpi sge, %add3A_176, %ge3A_179 : i32
      %and3A_181 = arith.andi %lt3A_178, %ge3A_180 : i1
      %convert_element_type3A_182 = arith.extui %and3A_181 : i1 to i32
      %cond3A_183 = arith.constant 0 : i32
      %cond3A_184 = arith.cmpi ne, %convert_element_type3A_182, %cond3A_183 : i32
      scf.if %cond3A_184 {
        %dma_wait3A_332 = arith.constant 4 : i32
        %dma_wait3A_333 = arith.constant 0 : i32
        %dma_wait3A_334 = arith.constant 0 : i32
        %dma_wait3A_335 = tpu.memref_slice %arg6[%dma_wait3A_332, %dma_wait3A_333, %dma_wait3A_334] : memref<5x128x128xf32, #tpu.memory_space<vmem>> -> memref<1x128x128xf32, #tpu.memory_space<vmem>>
        %dma_wait3A_336 = tpu.memref_squeeze %dma_wait3A_335 : memref<1x128x128xf32, #tpu.memory_space<vmem>> -> memref<128x128xf32, #tpu.memory_space<vmem>>
        %dma_wait3A_337 = arith.constant 0 : i32
        %dma_wait3A_338 = tpu.memref_slice %arg4[%mul3A_2, %dma_wait3A_337] : memref<204800x128xf32, #tpu.memory_space<hbm>> -> memref<128x128xf32, #tpu.memory_space<hbm>>
        %dma_wait3A_339 = arith.constant 0 : i32
        %dma_wait3A_340 = tpu.memref_slice %arg4[%mul3A_2, %dma_wait3A_339] : memref<204800x128xf32, #tpu.memory_space<hbm>> -> memref<128x128xf32, #tpu.memory_space<hbm>>
        %dma_wait3A_341 = arith.constant 0 : i32
        %dma_wait3A_342 = arith.constant 0 : i32
        %dma_wait3A_343 = tpu.memref_slice %arg6[%dma_wait3A_332, %dma_wait3A_341, %dma_wait3A_342] : memref<5x128x128xf32, #tpu.memory_space<vmem>> -> memref<1x128x128xf32, #tpu.memory_space<vmem>>
        %dma_wait3A_344 = tpu.memref_squeeze %dma_wait3A_343 : memref<1x128x128xf32, #tpu.memory_space<vmem>> -> memref<128x128xf32, #tpu.memory_space<vmem>>
        tpu.wait_dma2 semaphore(%arg8 : memref<!tpu.dma_semaphore, #tpu.memory_space<semaphore_mem>>) src(%dma_wait3A_344 : memref<128x128xf32, #tpu.memory_space<vmem>>) dst(%dma_wait3A_340 : memref<128x128xf32, #tpu.memory_space<hbm>>)
        %mul3A_345 = arith.constant 128 : i32
        %mul3A_346 = arith.muli %add3A_176, %mul3A_345 : i32
        %dma_start3A_347 = arith.constant 4 : i32
        %dma_start3A_348 = arith.constant 0 : i32
        %dma_start3A_349 = arith.constant 0 : i32
        %dma_start3A_350 = tpu.memref_slice %arg6[%dma_start3A_347, %dma_start3A_348, %dma_start3A_349] : memref<5x128x128xf32, #tpu.memory_space<vmem>> -> memref<1x128x128xf32, #tpu.memory_space<vmem>>
        %dma_start3A_351 = tpu.memref_squeeze %dma_start3A_350 : memref<1x128x128xf32, #tpu.memory_space<vmem>> -> memref<128x128xf32, #tpu.memory_space<vmem>>
        %dma_start3A_352 = tpu.memref_slice %arg5[%mul3A_346] : memref<6400xi32, #tpu.memory_space<vmem>> -> memref<128xi32, #tpu.memory_space<vmem>>
        %dma_start3A_353 = arith.constant 0 : i32
        %dma_start3A_354 = arith.constant 0 : i32
        %dma_start3A_355 = tpu.memref_slice %arg2[%dma_start3A_353, %dma_start3A_354] : memref<100000x128xf32, #tpu.memory_space<hbm>> -> memref<100000x128xf32, #tpu.memory_space<hbm>>
        tpu.enqueue_indirect_dma source(%dma_start3A_355 : memref<100000x128xf32, #tpu.memory_space<hbm>>) target(%dma_start3A_351 : memref<128x128xf32, #tpu.memory_space<vmem>>) offsets(%dma_start3A_352 : memref<128xi32, #tpu.memory_space<vmem>>) semaphore(%arg7 : memref<!tpu.dma_semaphore, #tpu.memory_space<semaphore_mem>>)
      } else {
      }
      %lt3A_185 = arith.constant 50 : i32
      %lt3A_186 = arith.cmpi slt, %add3A_176, %lt3A_185 : i32
      %lt3A_187 = arith.constant 5 : i32
      %lt3A_188 = arith.cmpi slt, %add3A_176, %lt3A_187 : i32
      %and3A_189 = arith.andi %lt3A_186, %lt3A_188 : i1
      %convert_element_type3A_190 = arith.extui %and3A_189 : i1 to i32
      %cond3A_191 = arith.constant 0 : i32
      %cond3A_192 = arith.cmpi ne, %convert_element_type3A_190, %cond3A_191 : i32
      scf.if %cond3A_192 {
        %mul3A_332 = arith.constant 128 : i32
        %mul3A_333 = arith.muli %add3A_176, %mul3A_332 : i32
        %dma_start3A_334 = arith.constant 4 : i32
        %dma_start3A_335 = arith.constant 0 : i32
        %dma_start3A_336 = arith.constant 0 : i32
        %dma_start3A_337 = tpu.memref_slice %arg6[%dma_start3A_334, %dma_start3A_335, %dma_start3A_336] : memref<5x128x128xf32, #tpu.memory_space<vmem>> -> memref<1x128x128xf32, #tpu.memory_space<vmem>>
        %dma_start3A_338 = tpu.memref_squeeze %dma_start3A_337 : memref<1x128x128xf32, #tpu.memory_space<vmem>> -> memref<128x128xf32, #tpu.memory_space<vmem>>
        %dma_start3A_339 = tpu.memref_slice %arg5[%mul3A_333] : memref<6400xi32, #tpu.memory_space<vmem>> -> memref<128xi32, #tpu.memory_space<vmem>>
        %dma_start3A_340 = arith.constant 0 : i32
        %dma_start3A_341 = arith.constant 0 : i32
        %dma_start3A_342 = tpu.memref_slice %arg2[%dma_start3A_340, %dma_start3A_341] : memref<100000x128xf32, #tpu.memory_space<hbm>> -> memref<100000x128xf32, #tpu.memory_space<hbm>>
        tpu.enqueue_indirect_dma source(%dma_start3A_342 : memref<100000x128xf32, #tpu.memory_space<hbm>>) target(%dma_start3A_338 : memref<128x128xf32, #tpu.memory_space<vmem>>) offsets(%dma_start3A_339 : memref<128xi32, #tpu.memory_space<vmem>>) semaphore(%arg7 : memref<!tpu.dma_semaphore, #tpu.memory_space<semaphore_mem>>)
      } else {
      }
      %add3A_193 = arith.constant 2 : i32
      %add3A_194 = arith.addi %mul3A_105, %add3A_193 : i32
      %dma_wait3A_195 = arith.constant 2 : i32
      %dma_wait3A_196 = arith.constant 0 : i32
      %dma_wait3A_197 = arith.constant 0 : i32
      %dma_wait3A_198 = tpu.memref_slice %arg6[%dma_wait3A_195, %dma_wait3A_196, %dma_wait3A_197] : memref<5x128x128xf32, #tpu.memory_space<vmem>> -> memref<1x128x128xf32, #tpu.memory_space<vmem>>
      %dma_wait3A_199 = tpu.memref_squeeze %dma_wait3A_198 : memref<1x128x128xf32, #tpu.memory_space<vmem>> -> memref<128x128xf32, #tpu.memory_space<vmem>>
      %dma_wait3A_200 = arith.constant 0 : i32
      %dma_wait3A_201 = tpu.memref_slice %arg5[%dma_wait3A_200] : memref<6400xi32, #tpu.memory_space<vmem>> -> memref<128xi32, #tpu.memory_space<vmem>>
      %dma_wait3A_202 = arith.constant 0 : i32
      %dma_wait3A_203 = arith.constant 0 : i32
      %dma_wait3A_204 = tpu.memref_slice %arg2[%dma_wait3A_202, %dma_wait3A_203] : memref<100000x128xf32, #tpu.memory_space<hbm>> -> memref<100000x128xf32, #tpu.memory_space<hbm>>
      tpu.wait_indirect_dma semaphore(%arg7 : memref<!tpu.dma_semaphore, #tpu.memory_space<semaphore_mem>>) src(%dma_wait3A_204 : memref<100000x128xf32, #tpu.memory_space<hbm>>) dst(%dma_wait3A_199 : memref<128x128xf32, #tpu.memory_space<vmem>>)
      %mul3A_205 = arith.constant 128 : i32
      %mul3A_206 = arith.muli %add3A_194, %mul3A_205 : i32
      %add3A_207 = arith.addi %mul3A_2, %mul3A_206 : i32
      %dma_start3A_208 = arith.constant 2 : i32
      %dma_start3A_209 = arith.constant 0 : i32
      %dma_start3A_210 = arith.constant 0 : i32
      %dma_start3A_211 = tpu.memref_slice %arg6[%dma_start3A_208, %dma_start3A_209, %dma_start3A_210] : memref<5x128x128xf32, #tpu.memory_space<vmem>> -> memref<1x128x128xf32, #tpu.memory_space<vmem>>
      %dma_start3A_212 = tpu.memref_squeeze %dma_start3A_211 : memref<1x128x128xf32, #tpu.memory_space<vmem>> -> memref<128x128xf32, #tpu.memory_space<vmem>>
      %dma_start3A_213 = arith.constant 0 : i32
      %dma_start3A_214 = tpu.memref_slice %arg4[%add3A_207, %dma_start3A_213] : memref<204800x128xf32, #tpu.memory_space<hbm>> -> memref<128x128xf32, #tpu.memory_space<hbm>>
      %dma_start3A_215 = arith.constant 0 : i32
      %dma_start3A_216 = tpu.memref_slice %arg4[%add3A_207, %dma_start3A_215] : memref<204800x128xf32, #tpu.memory_space<hbm>> -> memref<128x128xf32, #tpu.memory_space<hbm>>
      %dma_start3A_217 = arith.constant 0 : i32
      %dma_start3A_218 = arith.constant 0 : i32
      %dma_start3A_219 = tpu.memref_slice %arg6[%dma_start3A_208, %dma_start3A_217, %dma_start3A_218] : memref<5x128x128xf32, #tpu.memory_space<vmem>> -> memref<1x128x128xf32, #tpu.memory_space<vmem>>
      %dma_start3A_220 = tpu.memref_squeeze %dma_start3A_219 : memref<1x128x128xf32, #tpu.memory_space<vmem>> -> memref<128x128xf32, #tpu.memory_space<vmem>>
      tpu.enqueue_dma source(%dma_start3A_220 : memref<128x128xf32, #tpu.memory_space<vmem>>) target(%dma_start3A_216 : memref<128x128xf32, #tpu.memory_space<hbm>>) target_semaphore(%arg8 : memref<!tpu.dma_semaphore, #tpu.memory_space<semaphore_mem>>)
      %add3A_221 = arith.constant 3 : i32
      %add3A_222 = arith.addi %add3A_194, %add3A_221 : i32
      %lt3A_223 = arith.constant 50 : i32
      %lt3A_224 = arith.cmpi slt, %add3A_222, %lt3A_223 : i32
      %ge3A_225 = arith.constant 5 : i32
      %ge3A_226 = arith.cmpi sge, %add3A_222, %ge3A_225 : i32
      %and3A_227 = arith.andi %lt3A_224, %ge3A_226 : i1
      %convert_element_type3A_228 = arith.extui %and3A_227 : i1 to i32
      %cond3A_229 = arith.constant 0 : i32
      %cond3A_230 = arith.cmpi ne, %convert_element_type3A_228, %cond3A_229 : i32
      scf.if %cond3A_230 {
        %dma_wait3A_332 = arith.constant 0 : i32
        %dma_wait3A_333 = arith.constant 0 : i32
        %dma_wait3A_334 = arith.constant 0 : i32
        %dma_wait3A_335 = tpu.memref_slice %arg6[%dma_wait3A_332, %dma_wait3A_333, %dma_wait3A_334] : memref<5x128x128xf32, #tpu.memory_space<vmem>> -> memref<1x128x128xf32, #tpu.memory_space<vmem>>
        %dma_wait3A_336 = tpu.memref_squeeze %dma_wait3A_335 : memref<1x128x128xf32, #tpu.memory_space<vmem>> -> memref<128x128xf32, #tpu.memory_space<vmem>>
        %dma_wait3A_337 = arith.constant 0 : i32
        %dma_wait3A_338 = tpu.memref_slice %arg4[%mul3A_2, %dma_wait3A_337] : memref<204800x128xf32, #tpu.memory_space<hbm>> -> memref<128x128xf32, #tpu.memory_space<hbm>>
        %dma_wait3A_339 = arith.constant 0 : i32
        %dma_wait3A_340 = tpu.memref_slice %arg4[%mul3A_2, %dma_wait3A_339] : memref<204800x128xf32, #tpu.memory_space<hbm>> -> memref<128x128xf32, #tpu.memory_space<hbm>>
        %dma_wait3A_341 = arith.constant 0 : i32
        %dma_wait3A_342 = arith.constant 0 : i32
        %dma_wait3A_343 = tpu.memref_slice %arg6[%dma_wait3A_332, %dma_wait3A_341, %dma_wait3A_342] : memref<5x128x128xf32, #tpu.memory_space<vmem>> -> memref<1x128x128xf32, #tpu.memory_space<vmem>>
        %dma_wait3A_344 = tpu.memref_squeeze %dma_wait3A_343 : memref<1x128x128xf32, #tpu.memory_space<vmem>> -> memref<128x128xf32, #tpu.memory_space<vmem>>
        tpu.wait_dma2 semaphore(%arg8 : memref<!tpu.dma_semaphore, #tpu.memory_space<semaphore_mem>>) src(%dma_wait3A_344 : memref<128x128xf32, #tpu.memory_space<vmem>>) dst(%dma_wait3A_340 : memref<128x128xf32, #tpu.memory_space<hbm>>)
        %mul3A_345 = arith.constant 128 : i32
        %mul3A_346 = arith.muli %add3A_222, %mul3A_345 : i32
        %dma_start3A_347 = arith.constant 0 : i32
        %dma_start3A_348 = arith.constant 0 : i32
        %dma_start3A_349 = arith.constant 0 : i32
        %dma_start3A_350 = tpu.memref_slice %arg6[%dma_start3A_347, %dma_start3A_348, %dma_start3A_349] : memref<5x128x128xf32, #tpu.memory_space<vmem>> -> memref<1x128x128xf32, #tpu.memory_space<vmem>>
        %dma_start3A_351 = tpu.memref_squeeze %dma_start3A_350 : memref<1x128x128xf32, #tpu.memory_space<vmem>> -> memref<128x128xf32, #tpu.memory_space<vmem>>
        %dma_start3A_352 = tpu.memref_slice %arg5[%mul3A_346] : memref<6400xi32, #tpu.memory_space<vmem>> -> memref<128xi32, #tpu.memory_space<vmem>>
        %dma_start3A_353 = arith.constant 0 : i32
        %dma_start3A_354 = arith.constant 0 : i32
        %dma_start3A_355 = tpu.memref_slice %arg2[%dma_start3A_353, %dma_start3A_354] : memref<100000x128xf32, #tpu.memory_space<hbm>> -> memref<100000x128xf32, #tpu.memory_space<hbm>>
        tpu.enqueue_indirect_dma source(%dma_start3A_355 : memref<100000x128xf32, #tpu.memory_space<hbm>>) target(%dma_start3A_351 : memref<128x128xf32, #tpu.memory_space<vmem>>) offsets(%dma_start3A_352 : memref<128xi32, #tpu.memory_space<vmem>>) semaphore(%arg7 : memref<!tpu.dma_semaphore, #tpu.memory_space<semaphore_mem>>)
      } else {
      }
      %lt3A_231 = arith.constant 50 : i32
      %lt3A_232 = arith.cmpi slt, %add3A_222, %lt3A_231 : i32
      %lt3A_233 = arith.constant 5 : i32
      %lt3A_234 = arith.cmpi slt, %add3A_222, %lt3A_233 : i32
      %and3A_235 = arith.andi %lt3A_232, %lt3A_234 : i1
      %convert_element_type3A_236 = arith.extui %and3A_235 : i1 to i32
      %cond3A_237 = arith.constant 0 : i32
      %cond3A_238 = arith.cmpi ne, %convert_element_type3A_236, %cond3A_237 : i32
      scf.if %cond3A_238 {
        %mul3A_332 = arith.constant 128 : i32
        %mul3A_333 = arith.muli %add3A_222, %mul3A_332 : i32
        %dma_start3A_334 = arith.constant 0 : i32
        %dma_start3A_335 = arith.constant 0 : i32
        %dma_start3A_336 = arith.constant 0 : i32
        %dma_start3A_337 = tpu.memref_slice %arg6[%dma_start3A_334, %dma_start3A_335, %dma_start3A_336] : memref<5x128x128xf32, #tpu.memory_space<vmem>> -> memref<1x128x128xf32, #tpu.memory_space<vmem>>
        %dma_start3A_338 = tpu.memref_squeeze %dma_start3A_337 : memref<1x128x128xf32, #tpu.memory_space<vmem>> -> memref<128x128xf32, #tpu.memory_space<vmem>>
        %dma_start3A_339 = tpu.memref_slice %arg5[%mul3A_333] : memref<6400xi32, #tpu.memory_space<vmem>> -> memref<128xi32, #tpu.memory_space<vmem>>
        %dma_start3A_340 = arith.constant 0 : i32
        %dma_start3A_341 = arith.constant 0 : i32
        %dma_start3A_342 = tpu.memref_slice %arg2[%dma_start3A_340, %dma_start3A_341] : memref<100000x128xf32, #tpu.memory_space<hbm>> -> memref<100000x128xf32, #tpu.memory_space<hbm>>
        tpu.enqueue_indirect_dma source(%dma_start3A_342 : memref<100000x128xf32, #tpu.memory_space<hbm>>) target(%dma_start3A_338 : memref<128x128xf32, #tpu.memory_space<vmem>>) offsets(%dma_start3A_339 : memref<128xi32, #tpu.memory_space<vmem>>) semaphore(%arg7 : memref<!tpu.dma_semaphore, #tpu.memory_space<semaphore_mem>>)
      } else {
      }
      %add3A_239 = arith.constant 3 : i32
      %add3A_240 = arith.addi %mul3A_105, %add3A_239 : i32
      %dma_wait3A_241 = arith.constant 3 : i32
      %dma_wait3A_242 = arith.constant 0 : i32
      %dma_wait3A_243 = arith.constant 0 : i32
      %dma_wait3A_244 = tpu.memref_slice %arg6[%dma_wait3A_241, %dma_wait3A_242, %dma_wait3A_243] : memref<5x128x128xf32, #tpu.memory_space<vmem>> -> memref<1x128x128xf32, #tpu.memory_space<vmem>>
      %dma_wait3A_245 = tpu.memref_squeeze %dma_wait3A_244 : memref<1x128x128xf32, #tpu.memory_space<vmem>> -> memref<128x128xf32, #tpu.memory_space<vmem>>
      %dma_wait3A_246 = arith.constant 0 : i32
      %dma_wait3A_247 = tpu.memref_slice %arg5[%dma_wait3A_246] : memref<6400xi32, #tpu.memory_space<vmem>> -> memref<128xi32, #tpu.memory_space<vmem>>
      %dma_wait3A_248 = arith.constant 0 : i32
      %dma_wait3A_249 = arith.constant 0 : i32
      %dma_wait3A_250 = tpu.memref_slice %arg2[%dma_wait3A_248, %dma_wait3A_249] : memref<100000x128xf32, #tpu.memory_space<hbm>> -> memref<100000x128xf32, #tpu.memory_space<hbm>>
      tpu.wait_indirect_dma semaphore(%arg7 : memref<!tpu.dma_semaphore, #tpu.memory_space<semaphore_mem>>) src(%dma_wait3A_250 : memref<100000x128xf32, #tpu.memory_space<hbm>>) dst(%dma_wait3A_245 : memref<128x128xf32, #tpu.memory_space<vmem>>)
      %mul3A_251 = arith.constant 128 : i32
      %mul3A_252 = arith.muli %add3A_240, %mul3A_251 : i32
      %add3A_253 = arith.addi %mul3A_2, %mul3A_252 : i32
      %dma_start3A_254 = arith.constant 3 : i32
      %dma_start3A_255 = arith.constant 0 : i32
      %dma_start3A_256 = arith.constant 0 : i32
      %dma_start3A_257 = tpu.memref_slice %arg6[%dma_start3A_254, %dma_start3A_255, %dma_start3A_256] : memref<5x128x128xf32, #tpu.memory_space<vmem>> -> memref<1x128x128xf32, #tpu.memory_space<vmem>>
      %dma_start3A_258 = tpu.memref_squeeze %dma_start3A_257 : memref<1x128x128xf32, #tpu.memory_space<vmem>> -> memref<128x128xf32, #tpu.memory_space<vmem>>
      %dma_start3A_259 = arith.constant 0 : i32
      %dma_start3A_260 = tpu.memref_slice %arg4[%add3A_253, %dma_start3A_259] : memref<204800x128xf32, #tpu.memory_space<hbm>> -> memref<128x128xf32, #tpu.memory_space<hbm>>
      %dma_start3A_261 = arith.constant 0 : i32
      %dma_start3A_262 = tpu.memref_slice %arg4[%add3A_253, %dma_start3A_261] : memref<204800x128xf32, #tpu.memory_space<hbm>> -> memref<128x128xf32, #tpu.memory_space<hbm>>
      %dma_start3A_263 = arith.constant 0 : i32
      %dma_start3A_264 = arith.constant 0 : i32
      %dma_start3A_265 = tpu.memref_slice %arg6[%dma_start3A_254, %dma_start3A_263, %dma_start3A_264] : memref<5x128x128xf32, #tpu.memory_space<vmem>> -> memref<1x128x128xf32, #tpu.memory_space<vmem>>
      %dma_start3A_266 = tpu.memref_squeeze %dma_start3A_265 : memref<1x128x128xf32, #tpu.memory_space<vmem>> -> memref<128x128xf32, #tpu.memory_space<vmem>>
      tpu.enqueue_dma source(%dma_start3A_266 : memref<128x128xf32, #tpu.memory_space<vmem>>) target(%dma_start3A_262 : memref<128x128xf32, #tpu.memory_space<hbm>>) target_semaphore(%arg8 : memref<!tpu.dma_semaphore, #tpu.memory_space<semaphore_mem>>)
      %add3A_267 = arith.constant 3 : i32
      %add3A_268 = arith.addi %add3A_240, %add3A_267 : i32
      %lt3A_269 = arith.constant 50 : i32
      %lt3A_270 = arith.cmpi slt, %add3A_268, %lt3A_269 : i32
      %ge3A_271 = arith.constant 5 : i32
      %ge3A_272 = arith.cmpi sge, %add3A_268, %ge3A_271 : i32
      %and3A_273 = arith.andi %lt3A_270, %ge3A_272 : i1
      %convert_element_type3A_274 = arith.extui %and3A_273 : i1 to i32
      %cond3A_275 = arith.constant 0 : i32
      %cond3A_276 = arith.cmpi ne, %convert_element_type3A_274, %cond3A_275 : i32
      scf.if %cond3A_276 {
        %dma_wait3A_332 = arith.constant 1 : i32
        %dma_wait3A_333 = arith.constant 0 : i32
        %dma_wait3A_334 = arith.constant 0 : i32
        %dma_wait3A_335 = tpu.memref_slice %arg6[%dma_wait3A_332, %dma_wait3A_333, %dma_wait3A_334] : memref<5x128x128xf32, #tpu.memory_space<vmem>> -> memref<1x128x128xf32, #tpu.memory_space<vmem>>
        %dma_wait3A_336 = tpu.memref_squeeze %dma_wait3A_335 : memref<1x128x128xf32, #tpu.memory_space<vmem>> -> memref<128x128xf32, #tpu.memory_space<vmem>>
        %dma_wait3A_337 = arith.constant 0 : i32
        %dma_wait3A_338 = tpu.memref_slice %arg4[%mul3A_2, %dma_wait3A_337] : memref<204800x128xf32, #tpu.memory_space<hbm>> -> memref<128x128xf32, #tpu.memory_space<hbm>>
        %dma_wait3A_339 = arith.constant 0 : i32
        %dma_wait3A_340 = tpu.memref_slice %arg4[%mul3A_2, %dma_wait3A_339] : memref<204800x128xf32, #tpu.memory_space<hbm>> -> memref<128x128xf32, #tpu.memory_space<hbm>>
        %dma_wait3A_341 = arith.constant 0 : i32
        %dma_wait3A_342 = arith.constant 0 : i32
        %dma_wait3A_343 = tpu.memref_slice %arg6[%dma_wait3A_332, %dma_wait3A_341, %dma_wait3A_342] : memref<5x128x128xf32, #tpu.memory_space<vmem>> -> memref<1x128x128xf32, #tpu.memory_space<vmem>>
        %dma_wait3A_344 = tpu.memref_squeeze %dma_wait3A_343 : memref<1x128x128xf32, #tpu.memory_space<vmem>> -> memref<128x128xf32, #tpu.memory_space<vmem>>
        tpu.wait_dma2 semaphore(%arg8 : memref<!tpu.dma_semaphore, #tpu.memory_space<semaphore_mem>>) src(%dma_wait3A_344 : memref<128x128xf32, #tpu.memory_space<vmem>>) dst(%dma_wait3A_340 : memref<128x128xf32, #tpu.memory_space<hbm>>)
        %mul3A_345 = arith.constant 128 : i32
        %mul3A_346 = arith.muli %add3A_268, %mul3A_345 : i32
        %dma_start3A_347 = arith.constant 1 : i32
        %dma_start3A_348 = arith.constant 0 : i32
        %dma_start3A_349 = arith.constant 0 : i32
        %dma_start3A_350 = tpu.memref_slice %arg6[%dma_start3A_347, %dma_start3A_348, %dma_start3A_349] : memref<5x128x128xf32, #tpu.memory_space<vmem>> -> memref<1x128x128xf32, #tpu.memory_space<vmem>>
        %dma_start3A_351 = tpu.memref_squeeze %dma_start3A_350 : memref<1x128x128xf32, #tpu.memory_space<vmem>> -> memref<128x128xf32, #tpu.memory_space<vmem>>
        %dma_start3A_352 = tpu.memref_slice %arg5[%mul3A_346] : memref<6400xi32, #tpu.memory_space<vmem>> -> memref<128xi32, #tpu.memory_space<vmem>>
        %dma_start3A_353 = arith.constant 0 : i32
        %dma_start3A_354 = arith.constant 0 : i32
        %dma_start3A_355 = tpu.memref_slice %arg2[%dma_start3A_353, %dma_start3A_354] : memref<100000x128xf32, #tpu.memory_space<hbm>> -> memref<100000x128xf32, #tpu.memory_space<hbm>>
        tpu.enqueue_indirect_dma source(%dma_start3A_355 : memref<100000x128xf32, #tpu.memory_space<hbm>>) target(%dma_start3A_351 : memref<128x128xf32, #tpu.memory_space<vmem>>) offsets(%dma_start3A_352 : memref<128xi32, #tpu.memory_space<vmem>>) semaphore(%arg7 : memref<!tpu.dma_semaphore, #tpu.memory_space<semaphore_mem>>)
      } else {
      }
      %lt3A_277 = arith.constant 50 : i32
      %lt3A_278 = arith.cmpi slt, %add3A_268, %lt3A_277 : i32
      %lt3A_279 = arith.constant 5 : i32
      %lt3A_280 = arith.cmpi slt, %add3A_268, %lt3A_279 : i32
      %and3A_281 = arith.andi %lt3A_278, %lt3A_280 : i1
      %convert_element_type3A_282 = arith.extui %and3A_281 : i1 to i32
      %cond3A_283 = arith.constant 0 : i32
      %cond3A_284 = arith.cmpi ne, %convert_element_type3A_282, %cond3A_283 : i32
      scf.if %cond3A_284 {
        %mul3A_332 = arith.constant 128 : i32
        %mul3A_333 = arith.muli %add3A_268, %mul3A_332 : i32
        %dma_start3A_334 = arith.constant 1 : i32
        %dma_start3A_335 = arith.constant 0 : i32
        %dma_start3A_336 = arith.constant 0 : i32
        %dma_start3A_337 = tpu.memref_slice %arg6[%dma_start3A_334, %dma_start3A_335, %dma_start3A_336] : memref<5x128x128xf32, #tpu.memory_space<vmem>> -> memref<1x128x128xf32, #tpu.memory_space<vmem>>
        %dma_start3A_338 = tpu.memref_squeeze %dma_start3A_337 : memref<1x128x128xf32, #tpu.memory_space<vmem>> -> memref<128x128xf32, #tpu.memory_space<vmem>>
        %dma_start3A_339 = tpu.memref_slice %arg5[%mul3A_333] : memref<6400xi32, #tpu.memory_space<vmem>> -> memref<128xi32, #tpu.memory_space<vmem>>
        %dma_start3A_340 = arith.constant 0 : i32
        %dma_start3A_341 = arith.constant 0 : i32
        %dma_start3A_342 = tpu.memref_slice %arg2[%dma_start3A_340, %dma_start3A_341] : memref<100000x128xf32, #tpu.memory_space<hbm>> -> memref<100000x128xf32, #tpu.memory_space<hbm>>
        tpu.enqueue_indirect_dma source(%dma_start3A_342 : memref<100000x128xf32, #tpu.memory_space<hbm>>) target(%dma_start3A_338 : memref<128x128xf32, #tpu.memory_space<vmem>>) offsets(%dma_start3A_339 : memref<128xi32, #tpu.memory_space<vmem>>) semaphore(%arg7 : memref<!tpu.dma_semaphore, #tpu.memory_space<semaphore_mem>>)
      } else {
      }
      %add3A_285 = arith.constant 4 : i32
      %add3A_286 = arith.addi %mul3A_105, %add3A_285 : i32
      %dma_wait3A_287 = arith.constant 4 : i32
      %dma_wait3A_288 = arith.constant 0 : i32
      %dma_wait3A_289 = arith.constant 0 : i32
      %dma_wait3A_290 = tpu.memref_slice %arg6[%dma_wait3A_287, %dma_wait3A_288, %dma_wait3A_289] : memref<5x128x128xf32, #tpu.memory_space<vmem>> -> memref<1x128x128xf32, #tpu.memory_space<vmem>>
      %dma_wait3A_291 = tpu.memref_squeeze %dma_wait3A_290 : memref<1x128x128xf32, #tpu.memory_space<vmem>> -> memref<128x128xf32, #tpu.memory_space<vmem>>
      %dma_wait3A_292 = arith.constant 0 : i32
      %dma_wait3A_293 = tpu.memref_slice %arg5[%dma_wait3A_292] : memref<6400xi32, #tpu.memory_space<vmem>> -> memref<128xi32, #tpu.memory_space<vmem>>
      %dma_wait3A_294 = arith.constant 0 : i32
      %dma_wait3A_295 = arith.constant 0 : i32
      %dma_wait3A_296 = tpu.memref_slice %arg2[%dma_wait3A_294, %dma_wait3A_295] : memref<100000x128xf32, #tpu.memory_space<hbm>> -> memref<100000x128xf32, #tpu.memory_space<hbm>>
      tpu.wait_indirect_dma semaphore(%arg7 : memref<!tpu.dma_semaphore, #tpu.memory_space<semaphore_mem>>) src(%dma_wait3A_296 : memref<100000x128xf32, #tpu.memory_space<hbm>>) dst(%dma_wait3A_291 : memref<128x128xf32, #tpu.memory_space<vmem>>)
      %mul3A_297 = arith.constant 128 : i32
      %mul3A_298 = arith.muli %add3A_286, %mul3A_297 : i32
      %add3A_299 = arith.addi %mul3A_2, %mul3A_298 : i32
      %dma_start3A_300 = arith.constant 4 : i32
      %dma_start3A_301 = arith.constant 0 : i32
      %dma_start3A_302 = arith.constant 0 : i32
      %dma_start3A_303 = tpu.memref_slice %arg6[%dma_start3A_300, %dma_start3A_301, %dma_start3A_302] : memref<5x128x128xf32, #tpu.memory_space<vmem>> -> memref<1x128x128xf32, #tpu.memory_space<vmem>>
      %dma_start3A_304 = tpu.memref_squeeze %dma_start3A_303 : memref<1x128x128xf32, #tpu.memory_space<vmem>> -> memref<128x128xf32, #tpu.memory_space<vmem>>
      %dma_start3A_305 = arith.constant 0 : i32
      %dma_start3A_306 = tpu.memref_slice %arg4[%add3A_299, %dma_start3A_305] : memref<204800x128xf32, #tpu.memory_space<hbm>> -> memref<128x128xf32, #tpu.memory_space<hbm>>
      %dma_start3A_307 = arith.constant 0 : i32
      %dma_start3A_308 = tpu.memref_slice %arg4[%add3A_299, %dma_start3A_307] : memref<204800x128xf32, #tpu.memory_space<hbm>> -> memref<128x128xf32, #tpu.memory_space<hbm>>
      %dma_start3A_309 = arith.constant 0 : i32
      %dma_start3A_310 = arith.constant 0 : i32
      %dma_start3A_311 = tpu.memref_slice %arg6[%dma_start3A_300, %dma_start3A_309, %dma_start3A_310] : memref<5x128x128xf32, #tpu.memory_space<vmem>> -> memref<1x128x128xf32, #tpu.memory_space<vmem>>
      %dma_start3A_312 = tpu.memref_squeeze %dma_start3A_311 : memref<1x128x128xf32, #tpu.memory_space<vmem>> -> memref<128x128xf32, #tpu.memory_space<vmem>>
      tpu.enqueue_dma source(%dma_start3A_312 : memref<128x128xf32, #tpu.memory_space<vmem>>) target(%dma_start3A_308 : memref<128x128xf32, #tpu.memory_space<hbm>>) target_semaphore(%arg8 : memref<!tpu.dma_semaphore, #tpu.memory_space<semaphore_mem>>)
      %add3A_313 = arith.constant 3 : i32
      %add3A_314 = arith.addi %add3A_286, %add3A_313 : i32
      %lt3A_315 = arith.constant 50 : i32
      %lt3A_316 = arith.cmpi slt, %add3A_314, %lt3A_315 : i32
      %ge3A_317 = arith.constant 5 : i32
      %ge3A_318 = arith.cmpi sge, %add3A_314, %ge3A_317 : i32
      %and3A_319 = arith.andi %lt3A_316, %ge3A_318 : i1
      %convert_element_type3A_320 = arith.extui %and3A_319 : i1 to i32
      %cond3A_321 = arith.constant 0 : i32
      %cond3A_322 = arith.cmpi ne, %convert_element_type3A_320, %cond3A_321 : i32
      scf.if %cond3A_322 {
        %dma_wait3A_332 = arith.constant 2 : i32
        %dma_wait3A_333 = arith.constant 0 : i32
        %dma_wait3A_334 = arith.constant 0 : i32
        %dma_wait3A_335 = tpu.memref_slice %arg6[%dma_wait3A_332, %dma_wait3A_333, %dma_wait3A_334] : memref<5x128x128xf32, #tpu.memory_space<vmem>> -> memref<1x128x128xf32, #tpu.memory_space<vmem>>
        %dma_wait3A_336 = tpu.memref_squeeze %dma_wait3A_335 : memref<1x128x128xf32, #tpu.memory_space<vmem>> -> memref<128x128xf32, #tpu.memory_space<vmem>>
        %dma_wait3A_337 = arith.constant 0 : i32
        %dma_wait3A_338 = tpu.memref_slice %arg4[%mul3A_2, %dma_wait3A_337] : memref<204800x128xf32, #tpu.memory_space<hbm>> -> memref<128x128xf32, #tpu.memory_space<hbm>>
        %dma_wait3A_339 = arith.constant 0 : i32
        %dma_wait3A_340 = tpu.memref_slice %arg4[%mul3A_2, %dma_wait3A_339] : memref<204800x128xf32, #tpu.memory_space<hbm>> -> memref<128x128xf32, #tpu.memory_space<hbm>>
        %dma_wait3A_341 = arith.constant 0 : i32
        %dma_wait3A_342 = arith.constant 0 : i32
        %dma_wait3A_343 = tpu.memref_slice %arg6[%dma_wait3A_332, %dma_wait3A_341, %dma_wait3A_342] : memref<5x128x128xf32, #tpu.memory_space<vmem>> -> memref<1x128x128xf32, #tpu.memory_space<vmem>>
        %dma_wait3A_344 = tpu.memref_squeeze %dma_wait3A_343 : memref<1x128x128xf32, #tpu.memory_space<vmem>> -> memref<128x128xf32, #tpu.memory_space<vmem>>
        tpu.wait_dma2 semaphore(%arg8 : memref<!tpu.dma_semaphore, #tpu.memory_space<semaphore_mem>>) src(%dma_wait3A_344 : memref<128x128xf32, #tpu.memory_space<vmem>>) dst(%dma_wait3A_340 : memref<128x128xf32, #tpu.memory_space<hbm>>)
        %mul3A_345 = arith.constant 128 : i32
        %mul3A_346 = arith.muli %add3A_314, %mul3A_345 : i32
        %dma_start3A_347 = arith.constant 2 : i32
        %dma_start3A_348 = arith.constant 0 : i32
        %dma_start3A_349 = arith.constant 0 : i32
        %dma_start3A_350 = tpu.memref_slice %arg6[%dma_start3A_347, %dma_start3A_348, %dma_start3A_349] : memref<5x128x128xf32, #tpu.memory_space<vmem>> -> memref<1x128x128xf32, #tpu.memory_space<vmem>>
        %dma_start3A_351 = tpu.memref_squeeze %dma_start3A_350 : memref<1x128x128xf32, #tpu.memory_space<vmem>> -> memref<128x128xf32, #tpu.memory_space<vmem>>
        %dma_start3A_352 = tpu.memref_slice %arg5[%mul3A_346] : memref<6400xi32, #tpu.memory_space<vmem>> -> memref<128xi32, #tpu.memory_space<vmem>>
        %dma_start3A_353 = arith.constant 0 : i32
        %dma_start3A_354 = arith.constant 0 : i32
        %dma_start3A_355 = tpu.memref_slice %arg2[%dma_start3A_353, %dma_start3A_354] : memref<100000x128xf32, #tpu.memory_space<hbm>> -> memref<100000x128xf32, #tpu.memory_space<hbm>>
        tpu.enqueue_indirect_dma source(%dma_start3A_355 : memref<100000x128xf32, #tpu.memory_space<hbm>>) target(%dma_start3A_351 : memref<128x128xf32, #tpu.memory_space<vmem>>) offsets(%dma_start3A_352 : memref<128xi32, #tpu.memory_space<vmem>>) semaphore(%arg7 : memref<!tpu.dma_semaphore, #tpu.memory_space<semaphore_mem>>)
      } else {
      }
      %lt3A_323 = arith.constant 50 : i32
      %lt3A_324 = arith.cmpi slt, %add3A_314, %lt3A_323 : i32
      %lt3A_325 = arith.constant 5 : i32
      %lt3A_326 = arith.cmpi slt, %add3A_314, %lt3A_325 : i32
      %and3A_327 = arith.andi %lt3A_324, %lt3A_326 : i1
      %convert_element_type3A_328 = arith.extui %and3A_327 : i1 to i32
      %cond3A_329 = arith.constant 0 : i32
      %cond3A_330 = arith.cmpi ne, %convert_element_type3A_328, %cond3A_329 : i32
      scf.if %cond3A_330 {
        %mul3A_332 = arith.constant 128 : i32
        %mul3A_333 = arith.muli %add3A_314, %mul3A_332 : i32
        %dma_start3A_334 = arith.constant 2 : i32
        %dma_start3A_335 = arith.constant 0 : i32
        %dma_start3A_336 = arith.constant 0 : i32
        %dma_start3A_337 = tpu.memref_slice %arg6[%dma_start3A_334, %dma_start3A_335, %dma_start3A_336] : memref<5x128x128xf32, #tpu.memory_space<vmem>> -> memref<1x128x128xf32, #tpu.memory_space<vmem>>
        %dma_start3A_338 = tpu.memref_squeeze %dma_start3A_337 : memref<1x128x128xf32, #tpu.memory_space<vmem>> -> memref<128x128xf32, #tpu.memory_space<vmem>>
        %dma_start3A_339 = tpu.memref_slice %arg5[%mul3A_333] : memref<6400xi32, #tpu.memory_space<vmem>> -> memref<128xi32, #tpu.memory_space<vmem>>
        %dma_start3A_340 = arith.constant 0 : i32
        %dma_start3A_341 = arith.constant 0 : i32
        %dma_start3A_342 = tpu.memref_slice %arg2[%dma_start3A_340, %dma_start3A_341] : memref<100000x128xf32, #tpu.memory_space<hbm>> -> memref<100000x128xf32, #tpu.memory_space<hbm>>
        tpu.enqueue_indirect_dma source(%dma_start3A_342 : memref<100000x128xf32, #tpu.memory_space<hbm>>) target(%dma_start3A_338 : memref<128x128xf32, #tpu.memory_space<vmem>>) offsets(%dma_start3A_339 : memref<128xi32, #tpu.memory_space<vmem>>) semaphore(%arg7 : memref<!tpu.dma_semaphore, #tpu.memory_space<semaphore_mem>>)
      } else {
      }
      %scan3A_331 = arith.constant 0 : i32
      scf.yield %scan3A_331 : i32
    }
    %scan3A_37 = arith.constant 10 : i32
    %dma_wait3A = arith.constant 0 : i32
    %dma_wait3A_38 = arith.constant 0 : i32
    %dma_wait3A_39 = arith.constant 0 : i32
    %dma_wait3A_40 = tpu.memref_slice %arg6[%dma_wait3A, %dma_wait3A_38, %dma_wait3A_39] : memref<5x128x128xf32, #tpu.memory_space<vmem>> -> memref<1x128x128xf32, #tpu.memory_space<vmem>>
    %dma_wait3A_41 = tpu.memref_squeeze %dma_wait3A_40 : memref<1x128x128xf32, #tpu.memory_space<vmem>> -> memref<128x128xf32, #tpu.memory_space<vmem>>
    %dma_wait3A_42 = arith.constant 0 : i32
    %dma_wait3A_43 = tpu.memref_slice %arg4[%mul3A_2, %dma_wait3A_42] : memref<204800x128xf32, #tpu.memory_space<hbm>> -> memref<128x128xf32, #tpu.memory_space<hbm>>
    %dma_wait3A_44 = arith.constant 0 : i32
    %dma_wait3A_45 = tpu.memref_slice %arg4[%mul3A_2, %dma_wait3A_44] : memref<204800x128xf32, #tpu.memory_space<hbm>> -> memref<128x128xf32, #tpu.memory_space<hbm>>
    %dma_wait3A_46 = arith.constant 0 : i32
    %dma_wait3A_47 = arith.constant 0 : i32
    %dma_wait3A_48 = tpu.memref_slice %arg6[%dma_wait3A, %dma_wait3A_46, %dma_wait3A_47] : memref<5x128x128xf32, #tpu.memory_space<vmem>> -> memref<1x128x128xf32, #tpu.memory_space<vmem>>
    %dma_wait3A_49 = tpu.memref_squeeze %dma_wait3A_48 : memref<1x128x128xf32, #tpu.memory_space<vmem>> -> memref<128x128xf32, #tpu.memory_space<vmem>>
    tpu.wait_dma2 semaphore(%arg8 : memref<!tpu.dma_semaphore, #tpu.memory_space<semaphore_mem>>) src(%dma_wait3A_49 : memref<128x128xf32, #tpu.memory_space<vmem>>) dst(%dma_wait3A_45 : memref<128x128xf32, #tpu.memory_space<hbm>>)
    %dma_wait3A_50 = arith.constant 0 : i32
    %dma_wait3A_51 = arith.constant 0 : i32
    %dma_wait3A_52 = arith.constant 0 : i32
    %dma_wait3A_53 = tpu.memref_slice %arg6[%dma_wait3A_50, %dma_wait3A_51, %dma_wait3A_52] : memref<5x128x128xf32, #tpu.memory_space<vmem>> -> memref<1x128x128xf32, #tpu.memory_space<vmem>>
    %dma_wait3A_54 = tpu.memref_squeeze %dma_wait3A_53 : memref<1x128x128xf32, #tpu.memory_space<vmem>> -> memref<128x128xf32, #tpu.memory_space<vmem>>
    %dma_wait3A_55 = arith.constant 0 : i32
    %dma_wait3A_56 = tpu.memref_slice %arg4[%mul3A_2, %dma_wait3A_55] : memref<204800x128xf32, #tpu.memory_space<hbm>> -> memref<128x128xf32, #tpu.memory_space<hbm>>
    %dma_wait3A_57 = arith.constant 0 : i32
    %dma_wait3A_58 = tpu.memref_slice %arg4[%mul3A_2, %dma_wait3A_57] : memref<204800x128xf32, #tpu.memory_space<hbm>> -> memref<128x128xf32, #tpu.memory_space<hbm>>
    %dma_wait3A_59 = arith.constant 0 : i32
    %dma_wait3A_60 = arith.constant 0 : i32
    %dma_wait3A_61 = tpu.memref_slice %arg6[%dma_wait3A_50, %dma_wait3A_59, %dma_wait3A_60] : memref<5x128x128xf32, #tpu.memory_space<vmem>> -> memref<1x128x128xf32, #tpu.memory_space<vmem>>
    %dma_wait3A_62 = tpu.memref_squeeze %dma_wait3A_61 : memref<1x128x128xf32, #tpu.memory_space<vmem>> -> memref<128x128xf32, #tpu.memory_space<vmem>>
    tpu.wait_dma2 semaphore(%arg8 : memref<!tpu.dma_semaphore, #tpu.memory_space<semaphore_mem>>) src(%dma_wait3A_62 : memref<128x128xf32, #tpu.memory_space<vmem>>) dst(%dma_wait3A_58 : memref<128x128xf32, #tpu.memory_space<hbm>>)
    %dma_wait3A_63 = arith.constant 0 : i32
    %dma_wait3A_64 = arith.constant 0 : i32
    %dma_wait3A_65 = arith.constant 0 : i32
    %dma_wait3A_66 = tpu.memref_slice %arg6[%dma_wait3A_63, %dma_wait3A_64, %dma_wait3A_65] : memref<5x128x128xf32, #tpu.memory_space<vmem>> -> memref<1x128x128xf32, #tpu.memory_space<vmem>>
    %dma_wait3A_67 = tpu.memref_squeeze %dma_wait3A_66 : memref<1x128x128xf32, #tpu.memory_space<vmem>> -> memref<128x128xf32, #tpu.memory_space<vmem>>
    %dma_wait3A_68 = arith.constant 0 : i32
    %dma_wait3A_69 = tpu.memref_slice %arg4[%mul3A_2, %dma_wait3A_68] : memref<204800x128xf32, #tpu.memory_space<hbm>> -> memref<128x128xf32, #tpu.memory_space<hbm>>
    %dma_wait3A_70 = arith.constant 0 : i32
    %dma_wait3A_71 = tpu.memref_slice %arg4[%mul3A_2, %dma_wait3A_70] : memref<204800x128xf32, #tpu.memory_space<hbm>> -> memref<128x128xf32, #tpu.memory_space<hbm>>
    %dma_wait3A_72 = arith.constant 0 : i32
    %dma_wait3A_73 = arith.constant 0 : i32
    %dma_wait3A_74 = tpu.memref_slice %arg6[%dma_wait3A_63, %dma_wait3A_72, %dma_wait3A_73] : memref<5x128x128xf32, #tpu.memory_space<vmem>> -> memref<1x128x128xf32, #tpu.memory_space<vmem>>
    %dma_wait3A_75 = tpu.memref_squeeze %dma_wait3A_74 : memref<1x128x128xf32, #tpu.memory_space<vmem>> -> memref<128x128xf32, #tpu.memory_space<vmem>>
    tpu.wait_dma2 semaphore(%arg8 : memref<!tpu.dma_semaphore, #tpu.memory_space<semaphore_mem>>) src(%dma_wait3A_75 : memref<128x128xf32, #tpu.memory_space<vmem>>) dst(%dma_wait3A_71 : memref<128x128xf32, #tpu.memory_space<hbm>>)
    %dma_wait3A_76 = arith.constant 0 : i32
    %dma_wait3A_77 = arith.constant 0 : i32
    %dma_wait3A_78 = arith.constant 0 : i32
    %dma_wait3A_79 = tpu.memref_slice %arg6[%dma_wait3A_76, %dma_wait3A_77, %dma_wait3A_78] : memref<5x128x128xf32, #tpu.memory_space<vmem>> -> memref<1x128x128xf32, #tpu.memory_space<vmem>>
    %dma_wait3A_80 = tpu.memref_squeeze %dma_wait3A_79 : memref<1x128x128xf32, #tpu.memory_space<vmem>> -> memref<128x128xf32, #tpu.memory_space<vmem>>
    %dma_wait3A_81 = arith.constant 0 : i32
    %dma_wait3A_82 = tpu.memref_slice %arg4[%mul3A_2, %dma_wait3A_81] : memref<204800x128xf32, #tpu.memory_space<hbm>> -> memref<128x128xf32, #tpu.memory_space<hbm>>
    %dma_wait3A_83 = arith.constant 0 : i32
    %dma_wait3A_84 = tpu.memref_slice %arg4[%mul3A_2, %dma_wait3A_83] : memref<204800x128xf32, #tpu.memory_space<hbm>> -> memref<128x128xf32, #tpu.memory_space<hbm>>
    %dma_wait3A_85 = arith.constant 0 : i32
    %dma_wait3A_86 = arith.constant 0 : i32
    %dma_wait3A_87 = tpu.memref_slice %arg6[%dma_wait3A_76, %dma_wait3A_85, %dma_wait3A_86] : memref<5x128x128xf32, #tpu.memory_space<vmem>> -> memref<1x128x128xf32, #tpu.memory_space<vmem>>
    %dma_wait3A_88 = tpu.memref_squeeze %dma_wait3A_87 : memref<1x128x128xf32, #tpu.memory_space<vmem>> -> memref<128x128xf32, #tpu.memory_space<vmem>>
    tpu.wait_dma2 semaphore(%arg8 : memref<!tpu.dma_semaphore, #tpu.memory_space<semaphore_mem>>) src(%dma_wait3A_88 : memref<128x128xf32, #tpu.memory_space<vmem>>) dst(%dma_wait3A_84 : memref<128x128xf32, #tpu.memory_space<hbm>>)
    %dma_wait3A_89 = arith.constant 0 : i32
    %dma_wait3A_90 = arith.constant 0 : i32
    %dma_wait3A_91 = arith.constant 0 : i32
    %dma_wait3A_92 = tpu.memref_slice %arg6[%dma_wait3A_89, %dma_wait3A_90, %dma_wait3A_91] : memref<5x128x128xf32, #tpu.memory_space<vmem>> -> memref<1x128x128xf32, #tpu.memory_space<vmem>>
    %dma_wait3A_93 = tpu.memref_squeeze %dma_wait3A_92 : memref<1x128x128xf32, #tpu.memory_space<vmem>> -> memref<128x128xf32, #tpu.memory_space<vmem>>
    %dma_wait3A_94 = arith.constant 0 : i32
    %dma_wait3A_95 = tpu.memref_slice %arg4[%mul3A_2, %dma_wait3A_94] : memref<204800x128xf32, #tpu.memory_space<hbm>> -> memref<128x128xf32, #tpu.memory_space<hbm>>
    %dma_wait3A_96 = arith.constant 0 : i32
    %dma_wait3A_97 = tpu.memref_slice %arg4[%mul3A_2, %dma_wait3A_96] : memref<204800x128xf32, #tpu.memory_space<hbm>> -> memref<128x128xf32, #tpu.memory_space<hbm>>
    %dma_wait3A_98 = arith.constant 0 : i32
    %dma_wait3A_99 = arith.constant 0 : i32
    %dma_wait3A_100 = tpu.memref_slice %arg6[%dma_wait3A_89, %dma_wait3A_98, %dma_wait3A_99] : memref<5x128x128xf32, #tpu.memory_space<vmem>> -> memref<1x128x128xf32, #tpu.memory_space<vmem>>
    %dma_wait3A_101 = tpu.memref_squeeze %dma_wait3A_100 : memref<1x128x128xf32, #tpu.memory_space<vmem>> -> memref<128x128xf32, #tpu.memory_space<vmem>>
    tpu.wait_dma2 semaphore(%arg8 : memref<!tpu.dma_semaphore, #tpu.memory_space<semaphore_mem>>) src(%dma_wait3A_101 : memref<128x128xf32, #tpu.memory_space<vmem>>) dst(%dma_wait3A_97 : memref<128x128xf32, #tpu.memory_space<hbm>>)
    return
  }
}

module attributes {stable_mosaic.version = 14 : i64} {
  func.func @_ln_body(%arg0: i32, %arg1: memref<10000x128xf32, #tpu.memory_space<vmem>>, %arg2: memref<1x128xf32, #tpu.memory_space<vmem>>, %arg3: memref<1x128xf32, #tpu.memory_space<vmem>>, %arg4: memref<10000x128xf32, #tpu.memory_space<vmem>>) attributes {dimension_semantics = [#tpu.dimension_semantics<arbitrary>], iteration_bounds = array<i64: 10>, scalar_prefetch = 0 : i64, scratch_operands = 0 : i64, tpu.core_type = #tpu.core_type<tc>, window_params = [{transform_indices = @transform_0, window_bounds = array<i64: 10000, 128>}, {pipeline_mode = #tpu.pipeline_mode<synchronous>, transform_indices = @transform_1, window_bounds = array<i64: 1, 128>}, {pipeline_mode = #tpu.pipeline_mode<synchronous>, transform_indices = @transform_2, window_bounds = array<i64: 1, 128>}, {transform_indices = @transform_3, window_bounds = array<i64: 10000, 128>}]} {
    %get3A = arith.constant 0 : index
    %get3A_0 = arith.constant 0 : index
    %get3A_1 = vector.load %arg1[%get3A, %get3A_0] : memref<10000x128xf32, #tpu.memory_space<vmem>>, vector<10000x128xf32>
    %reduce_sum3A = arith.constant dense<0.000000e+00> : vector<10000xf32>
    %reduce_sum3A_2 = vector.multi_reduction <add>, %get3A_1, %reduce_sum3A [1] : vector<10000x128xf32> to vector<10000xf32>
    %broadcast_in_dim3A = vector.shape_cast %reduce_sum3A_2 : vector<10000xf32> to vector<10000x1xf32>
    %div3A = arith.constant 1.280000e+02 : f32
    %div3A_3 = vector.broadcast %div3A : f32 to vector<10000x1xf32>
    %div3A_4 = arith.divf %broadcast_in_dim3A, %div3A_3 : vector<10000x1xf32>
    %sub3A = vector.broadcast %div3A_4 : vector<10000x1xf32> to vector<10000x128xf32>
    %sub3A_5 = arith.subf %get3A_1, %sub3A : vector<10000x128xf32>
    %mul3A = arith.mulf %sub3A_5, %sub3A_5 : vector<10000x128xf32>
    %reduce_sum3A_6 = arith.constant dense<0.000000e+00> : vector<10000xf32>
    %reduce_sum3A_7 = vector.multi_reduction <add>, %mul3A, %reduce_sum3A_6 [1] : vector<10000x128xf32> to vector<10000xf32>
    %broadcast_in_dim3A_8 = vector.shape_cast %reduce_sum3A_7 : vector<10000xf32> to vector<10000x1xf32>
    %div3A_9 = arith.constant 1.280000e+02 : f32
    %div3A_10 = vector.broadcast %div3A_9 : f32 to vector<10000x1xf32>
    %div3A_11 = arith.divf %broadcast_in_dim3A_8, %div3A_10 : vector<10000x1xf32>
    %add3A = arith.constant 9.99999974E-6 : f32
    %add3A_12 = vector.broadcast %add3A : f32 to vector<10000x1xf32>
    %add3A_13 = arith.addf %div3A_11, %add3A_12 : vector<10000x1xf32>
    %rsqrt3A = math.rsqrt %add3A_13 : vector<10000x1xf32>
    %mul3A_14 = vector.broadcast %rsqrt3A : vector<10000x1xf32> to vector<10000x128xf32>
    %mul3A_15 = arith.mulf %sub3A_5, %mul3A_14 : vector<10000x128xf32>
    %get3A_16 = arith.constant 0 : index
    %get3A_17 = arith.constant 0 : index
    %get3A_18 = vector.load %arg2[%get3A_16, %get3A_17] : memref<1x128xf32, #tpu.memory_space<vmem>>, vector<1x128xf32>
    %mul3A_19 = vector.broadcast %get3A_18 : vector<1x128xf32> to vector<10000x128xf32>
    %mul3A_20 = arith.mulf %mul3A_15, %mul3A_19 : vector<10000x128xf32>
    %get3A_21 = arith.constant 0 : index
    %get3A_22 = arith.constant 0 : index
    %get3A_23 = vector.load %arg3[%get3A_21, %get3A_22] : memref<1x128xf32, #tpu.memory_space<vmem>>, vector<1x128xf32>
    %add3A_24 = vector.broadcast %get3A_23 : vector<1x128xf32> to vector<10000x128xf32>
    %add3A_25 = arith.addf %mul3A_20, %add3A_24 : vector<10000x128xf32>
    %swap3A = arith.constant 0 : index
    %swap3A_26 = arith.constant 0 : index
    %swap3A_27 = vector.load %arg4[%swap3A, %swap3A_26] : memref<10000x128xf32, #tpu.memory_space<vmem>>, vector<10000x128xf32>
    tpu.vector_store %arg4[%swap3A, %swap3A_26], %add3A_25 {strides = array<i32>} : memref<10000x128xf32, #tpu.memory_space<vmem>>, vector<10000x128xf32>,
    return
  }
  func.func @transform_0(%arg0: i32) -> (i32, i32) {
    %c0_i32 = arith.constant 0 : i32
    %c0_i32_0 = arith.constant 0 : i32
    return %arg0, %c0_i32 : i32, i32
  }
  func.func @transform_1(%arg0: i32) -> (i32, i32) {
    %c0_i32 = arith.constant 0 : i32
    %c0_i32_0 = arith.constant 0 : i32
    %c0_i32_1 = arith.constant 0 : i32
    return %c0_i32, %c0_i32_0 : i32, i32
  }
  func.func @transform_2(%arg0: i32) -> (i32, i32) {
    %c0_i32 = arith.constant 0 : i32
    %c0_i32_0 = arith.constant 0 : i32
    %c0_i32_1 = arith.constant 0 : i32
    return %c0_i32, %c0_i32_0 : i32, i32
  }
  func.func @transform_3(%arg0: i32) -> (i32, i32) {
    %c0_i32 = arith.constant 0 : i32
    %c0_i32_0 = arith.constant 0 : i32
    return %arg0, %c0_i32 : i32, i32
  }
}

</mosaic_0001>

<sc_bundles>
// kernel: kernel.4.cloned.1.call-start
scs
__scs_entry_jumppad:
0x0: {  	(pc) =	sbr.rel $0x88, $3  }
0x1: {  	(tag) =	ssettag $0x0;
	lr =	simm.s32 $0x1  }
0x2: {  	[smem:$0x3F9D] =	sst lr;
	_ =	strace $0xD0000000  }
0x3: {  	_ = 	snop  }
0x4: {  	_ = 	snop  }
0x5: {  	_ = 	snop  }
0x6: {  	_ = 	snop  }
0x7: {  	_ = 	snop  }
__scs_overlays_trampoline_lowered:
0x8: {  	[smem:$0x3FAC] =	sst s0  }
0x9: {  	[smem:$0x3FAD] =	sst s1  }
0xa: {  	[smem:$0x3FAE] =	sst s2  }
0xb: {  	[smem:$0x3FAF] =	sst s3  }
0xc: {  	[smem:$0x3FB0] =	sst s4  }
0xd: {  	[smem:$0x3FB1] =	sst s5  }
0xe: {  	[smem:$0x3FB2] =	sst s6  }
0xf: {  	[smem:$0x3FB3] =	sst s7  }
0x10: {  	[smem:$0x3FB4] =	sst s8  }
0x11: {  	[smem:$0x3FB5] =	sst s9;
	s0 =	simm.s32 @!p0 $0x0  }
0x12: {  	s1 =	sld [smem:$0x3F9B];
	s0 =	simm.s32 @p0 $0x1  }
0x13: {  	[smem:$0x3FB6] =	sst s0;
	s0 =	simm.s32 @!p1 $0x0  }
0x14: {  	s2 =	sld [smem:$0x3F9A];
	s0 =	simm.s32 @p1 $0x1  }
0x15: {  	[smem:$0x3FB7] =	sst s0;
	s0 =	simm.s32 @!p2 $0x0  }
0x16: {  	s3 =	sld [smem:$0x3FDB];
	s0 =	simm.s32 @p2 $0x1  }
0x17: {  	s4 =	simm.s32 $0x1BF5;
	[smem:$0x3FB9] =	sst s0  }
0x18: {  	s0 =	sld [smem:$0x3F9C];
	_ =	swait.ge [sflag:s4], $0x0  }
0x19: {  	s7 =	sld [smem:$0x3F9D]  }
0x1a: {  	s8 =	sadd.s32 $0xFFFFE003, lr  }
0x1b: {  	s9 =	sadd.s32 $0xFFFFFEF7, lr;
	s5 =	simm.s32 $0xFFFFFFFF;
	p2 =	slt.u32 s8, $0xFFFFF086  }
0x1c: {  	p1 =	slt.u32 s9, $0xF7A;
	s5 =	simm.s32 @!p2 $0x0  }
0x1d: {  	s5 =	simm.s32 @p1 $0x1;
	p0 =	seq.s32 s7, s2  }
0x1e: {  	s7 =	smul.u32 @!p0 $0xF7A, s2;
	p2 =	seq.s32 @!p0 s5, $0x0  }
0x1f: {  	s9 =	smul.u32 $0xF7A, s1;
	s8 =	simm.s32 @!p0 $0x1BF5;
	p2 =	por !p2, p0  }
0x20: {  	[sflag:s8] =	ssyncset.s32 @!p0 $0xFFFFF086;
	s6 =	sadd.s32 @!p0 s3, s7;
	s7 =	simm.s32 @!p0 $0x108  }
0x21: {  	s3 =	sadd.s32 s3, s9;
	s6 =	sadd.s32 @!p0 $0x88, s6;
	s7 =	simm.s32 @p2 $0x1082  }
0x22: {  	[simem:s7], [sflag:s8] =	dma.local @!p0 [hbm:s6], $0xF7A  }
0x23: {  	s9 =	sor.u32 $0xD0000000, s2;
	s6 =	simm.s32 $0x108;
	_ =	swait.ge @!p0 [sflag:s8], $0x0  }
0x24: {  	s3 =	sadd.s32 $0x88, s3;
	s6 =	simm.s32 @!p1 $0x1082;
	[sflag:s4] =	ssyncset.s32 $0xFFFFF086  }
0x25: {  	[simem:s6], [sflag:s4] =	dma.local [hbm:s3], $0xF7A  }
0x26: {  	[smem:$0x3F9D] =	sst s1;
	(tag) =	ssettag s2;
	_ =	strace s9  }
0x27: {  	s1 =	sld [smem:$0x3FAD]  }
0x28: {  	s2 =	sld [smem:$0x3FAE]  }
0x29: {  	s4 =	sld [smem:$0x3FB0]  }
0x2a: {  	p0 =	seq.s32 s5, $0x0;
	s5 =	sld [smem:$0x3FB1]  }
0x2b: {  	s6 =	sld [smem:$0x3FB2]  }
0x2c: {  	s7 =	sld [smem:$0x3FB3]  }
0x2d: {  	s3 =	simm.s32 $0x108;
	s8 =	sld [smem:$0x3FB4]  }
0x2e: {  	s3 =	simm.s32 @!p0 $0x1082;
	s9 =	sld [smem:$0x3FB5]  }
0x2f: {  	lr =	sadd.s32 s0, s3;
	s0 =	sld [smem:$0x3FAC]  }
0x30: {  	s3 =	sld [smem:$0x3FAF]  }
0x31: {  	[smem:$0x3FB8] =	sst s10  }
0x32: {  	s10 =	sld [smem:$0x3FB6];
	_ =	sdelay $0x3  }
0x33: {  	p0 =	seq.s32 s10, $0x1;
	s10 =	sld [smem:$0x3FB8];
	_ =	sdelay $0x3  }
0x34: {  	[smem:$0x3FB8] =	sst s10  }
0x35: {  	s10 =	sld [smem:$0x3FB7];
	_ =	sdelay $0x3  }
0x36: {  	p1 =	seq.s32 s10, $0x1;
	s10 =	sld [smem:$0x3FB8];
	_ =	sdelay $0x3  }
0x37: {  	[smem:$0x3FB8] =	sst s10  }
0x38: {  	s10 =	sld [smem:$0x3FB9]  }
0x39: {  	_ = 	snop;
	(pc) =	sbr.ind lr, $3  }
0x3a: {  	_ = 	snop  }
0x3b: {  	_ = 	snop  }
0x3c: {  	p2 =	seq.s32 s10, $0x1;
	s10 =	sld [smem:$0x3FB8]  }
0x3d: {  	_ =	shalt  }
0x3e: {  	_ =	shalt  }
0x3f: {  	_ =	shalt  }
0x40: {  	_ =	shalt  }
0x41: {  	_ =	shalt  }
0x42: {  	_ =	shalt  }
0x43: {  	_ =	shalt  }
0x44: {  	_ =	shalt  }
0x45: {  	_ =	shalt  }
0x46: {  	_ =	shalt  }
0x47: {  	_ =	shalt  }
0x48: {  	_ =	shalt  }
0x49: {  	_ =	shalt  }
0x4a: {  	_ =	shalt  }
0x4b: {  	_ =	shalt  }
0x4c: {  	_ =	shalt  }
0x4d: {  	_ =	shalt  }
0x4e: {  	_ =	shalt  }
0x4f: {  	_ =	shalt  }
0x50: {  	_ =	shalt  }
0x51: {  	_ =	shalt  }
0x52: {  	_ =	shalt  }
0x53: {  	_ =	shalt  }
0x54: {  	_ =	shalt  }
0x55: {  	_ =	shalt  }
0x56: {  	_ =	shalt  }
0x57: {  	_ =	shalt  }
0x58: {  	_ =	shalt  }
0x59: {  	_ =	shalt  }
0x5a: {  	_ =	shalt  }
0x5b: {  	_ =	shalt  }
0x5c: {  	_ =	shalt  }
0x5d: {  	_ =	shalt  }
0x5e: {  	_ =	shalt  }
0x5f: {  	_ =	shalt  }
0x60: {  	_ =	shalt  }
0x61: {  	_ =	shalt  }
0x62: {  	_ =	shalt  }
0x63: {  	_ =	shalt  }
0x64: {  	_ =	shalt  }
0x65: {  	_ =	shalt  }
0x66: {  	_ =	shalt  }
0x67: {  	_ =	shalt  }
0x68: {  	_ =	shalt  }
0x69: {  	_ =	shalt  }
0x6a: {  	_ =	shalt  }
0x6b: {  	_ =	shalt  }
0x6c: {  	_ =	shalt  }
0x6d: {  	_ =	shalt  }
0x6e: {  	_ =	shalt  }
0x6f: {  	_ =	shalt  }
0x70: {  	_ =	shalt  }
0x71: {  	_ =	shalt  }
0x72: {  	_ =	shalt  }
0x73: {  	_ =	shalt  }
0x74: {  	_ =	shalt  }
0x75: {  	_ =	shalt  }
0x76: {  	_ =	shalt  }
0x77: {  	_ =	shalt  }
0x78: {  	_ =	shalt  }
0x79: {  	_ =	shalt  }
0x7a: {  	_ =	shalt  }
0x7b: {  	_ =	shalt  }
0x7c: {  	_ =	shalt  }
0x7d: {  	_ =	shalt  }
0x7e: {  	_ =	shalt  }
0x7f: {  	_ =	shalt  }
0x80: {  	_ =	shalt  }
0x81: {  	_ =	shalt  }
0x82: {  	_ =	shalt  }
0x83: {  	_ =	shalt  }
0x84: {  	_ =	shalt  }
0x85: {  	_ =	shalt  }
0x86: {  	_ =	shalt  }
0x87: {  	_ =	shalt  }
.Lfunc_end0:
.L_simem_size_0:
called_computation_lowered:
.L_overlay_start_0:
0x88: {  	s2 =	sld [smem:$0x3FD9]  }
0x89: {  	s3 =	sld [smem:$0x3FFE];
	_ =	sdelay $0x1  }
0x8a: {  	s1 =	srdreg.scid  }
0x8b: {  	s0 =	sand.u32 $0x1, s1  }
0x8c: {  	s17 =	sshll.u32 s0, $0xA;
	s2 =	sadd.s32 s3, s2  }
0x8d: {  	s2 =	sadd.s32 s2, s17  }
0x8e: {  	[smem:$0x3FC4] =	sst s2  }
0x8f: {  	_ = 	snop  }
0x90: {  	s2 =	sld [smem:$0x3FD0];
	(tm) =	ssettm $0x1  }
0x91: {  	s18 =	sld [smem:$0x3FFB];
	_ =	sdelay $0x3  }
0x92: {  	_ =	strace s18  }
0x93: {  	s3 =	sld [smem:$0x3FFC];
	_ =	sdelay $0x3  }
0x94: {  	_ =	strace s3  }
0x95: {  	s3 =	sld [smem:$0x3FFD];
	_ =	sdelay $0x3  }
0x96: {  	_ =	strace s3  }
0x97: {  	_ =	strace $0x8FFFFFFF  }
0x98: {  	s19 =	sld [smem:$0x3FDB];
	_ =	sdelay $0x1  }
0x99: {  	s4 =	simm.s32 $_scs_section_size  }
0x9a: {  	s5 =	simm.s32 $_size__tile_overlayer_lowered;
	s6 =	simm.s32 $_tile_overlayer_lowered  }
0x9b: {  	s22 =	simm.s32 $0x1BFF;
	s21 =	sshll.u32 s6, $0x1;
	s3 =	sadd.s32 s4, s19  }
0x9c: {  	s7 =	simm.s32 $0x0;
	s20 =	sshll.u32 s5, $0x1;
	s5 =	sadd.s32 s21, s3  }
0x9d: {  	[timem:s7], [sflag:s22] =	dma.local [hbm:s5], s20  }
0x9e: {  	_ =	swait.ge [sflag:s22], s20  }
0x9f: {  	s4 =	ssub.s32 $0x0, s20;
	[sflag:s22] =	ssyncset.done $0x0  }
0xa0: {  	[sflag:s22] =	ssyncadd.s32 s4;
	_ =	sdelay $0x1  }
0xa1: {  	s23 =	simm.s32 $0x1B8B  }
0xa2: {  	_ =	swait.ge [sflag:s23], $0x1  }
0xa3: {  	[sflag:s23] =	ssyncset.done $0x0  }
0xa4: {  	s25 =	simm.s32 $0x1B8E;
	s24 =	sld [smem:$0x3FFE];
	[sflag:s23] =	ssyncadd.s32 $0xFFFFFFFF  }
0xa5: {  	s26 =	simm.s32 $execute0_lowered;
	[smem:$0x3FD2] =	sst s25  }
0xa6: {  	s5 =	sshll.u32 s26, $0x1;
	_ =	strace $0x80000046;
	[dreg:$0x1] =	wrdreg $0xFFFFFFFF  }
0xa7: {  	s28 =	simm.s32 $_size_execute0_lowered;
	s3 =	sadd.s32 s3, s5;
	[dreg:$0x0] =	wrdreg $0x0  }
0xa8: {  	s5 =	sshll.u32 s28, $0x1;
	[dreg:$0x2] =	wrdreg s3  }
0xa9: {  	[dreg:$0x3] =	wrdreg s5  }
0xaa: {  	[dreg:$0x4] =	wrdreg $0xC0  }
0xab: {  	_ =	task [dreg:s7], $0x5FFFF  }
0xac: {  	[dreg:$0x1] =	wrdreg $0xFFFFFFFF  }
0xad: {  	[dreg:$0x0] =	wrdreg $0x60  }
0xae: {  	[dreg:$0x2] =	wrdreg s24  }
0xaf: {  	[dreg:$0x3] =	wrdreg s2  }
0xb0: {  	[dreg:$0x4] =	wrdreg $0x9  }
0xb1: {  	_ =	task.clear_ibuf [dreg:s7], $0x5FFFF;
	_ =	strace $0x90000046  }
0xb2: {  	s29 =	simm.s32 $0x9;
	_ =	strace $0x80000048  }
0xb3: {  	_ =	swait.ge [sflag:s29], $0x1  }
0xb4: {  	[sflag:s29] =	ssyncadd.s32 $0xFFFFFFFF  }
0xb5: {  	_ =	strace $0x90000048  }
0xb6: {  	_ =	sfence  }
0xb7: {  	s30 =	sld [smem:$0x0];
	_ =	sdelay $0x2  }
0xb8: {  	s31 =	sshll.u32 s1, $0xD;
	s1 =	sshrl.u32 s1, $0x2  }
0xb9: {  	s3 =	sand.u32 $0x4000, s31;
	s1 =	sadd.s32 s1, s30  }
0xba: {  	s0 =	sor.u32 s3, s0;
	s1 =	sshll.u32 s1, $0x11  }
0xbb: {  	s0 =	sor.u32 s1, s0  }
0xbc: {  	s0 =	sadd.s32 $0x8F2B, s0  }
0xbd: {  	[sflag:s0] =	ssyncadd.remote.s32 $0x1  }
0xbe: {  	_ =	sfence.sel $0xFFFF  }
0xbf: {  	[dreg:$0x0] =	wrdreg $0xFFFFFFFF;
	(pc) =	sbr.abs _section_cstart, $3  }
0xc0: {  	[dreg:$0x1] =	wrdreg $0xFFFFFFFF  }
0xc1: {  	_ =	task.clear_ibuf [dreg:s7], $0x2FFFF;
	_ =	strace $0x9FFFFFFF  }
0xc2: {  	(tm) =	ssettm $0x7FFFFFFF  }
0xc3: {  	_ =	shalt  }
tec
execute0_lowered:
.L_overlay_start_1:
0x0: {  	(tag) =	ssettag $0x1  }
0x1: {  	s5 =	rddreg [dreg:$0x0]  }
0x2: {  	s1 =	srdreg.scid;
	s0 =	stileid.u32  }
0x3: {  	s2 =	rddreg [dreg:$0x1];
	s3 =	simm.s32 $0x0;
	s12 =	simm.s32 $0x1900  }
0x4: {  	s13 =	simm.s32 $0x5900;
	s14 =	simm.s32 $0x100;
	s15 =	simm.s32 $0x9900  }
0x5: {  	s16 =	simm.s32 $0x1;
	s17 =	simm.s32 $0xD900;
	s18 =	simm.s32 $0x11900  }
0x6: {  	s19 =	simm.s32 $0x2;
	s20 =	simm.s32 $0x0;
	s8 =	smul.u32 $0x190000, s0  }
0x7: {  	s6 =	sand.u32 $0x1, s1;
	s1 =	rddreg [dreg:$0x2];
	s11 =	smul.u32 $0x32000, s0  }
0x8: {  	s4 =	sshll.u32 s0, $0x1;
	[smem:$0x7FF] =	sst s3;
	s10 =	smul.u32 $0xC8000, s6  }
0x9: {  	s4 =	sor.u32 s6, s4;
	_ =	strace $0x80000047;
	s30 =	smul.u32 $0x19000, s6  }
0xa: {  	s9 =	ssub.s32 $0x2, s6;
	s7 =	smul.u32 $0x1900, s4;
	s4 =	sadd.s32 $0x6C00, s5  }
.Ltmp0:
0xb: {  	s29 =	sshrl.u32 s9, $0x1;
	s10 =	sadd.s32 s10, s8;
	(pc) =	sbr.rel .LBB2_1-.Ltmp0, $4  }
0xc: {  	s7 =	sshrl.u32 s7, $0x3;
	s8 =	sadd.s32 $0x10000, s10;
	s31 =	sadd.s32 $0xC000, s10  }
0xd: {  	s10 =	simm.s32 $0x3;
	s5 =	sadd.s32 s7, s5;
	s7 =	ssub.s32 s9, s29  }
0xe: {  	s8 =	sshrl.u32 s8, $0x3;
	s9 =	sshrl.u32 s31, $0x3;
	s5 =	sadd.s32 $0x800, s5  }
0xf: {  	s6 =	smax.u32 s7, $0x1;
	s7 =	sadd.s32 s30, s11;
	s11 =	simm.s32 $0x80  }
.LBB2_4:
0x10: {  	_ =	swait.ge [sflag:s19], $0x4000  }
0x11: {  	[sflag:s19] =	ssyncset.done $0x0  }
0x12: {  	[sflag:s19] =	ssyncadd.s32 $0xFFFFC000  }
0x13: {  	_ =	swait.ge [sflag:s19], $0x4000  }
0x14: {  	[sflag:s19] =	ssyncset.done $0x0  }
0x15: {  	s20 =	sadd.s32 $0x1, s20;
	[sflag:s19] =	ssyncadd.s32 $0xFFFFC000  }
0x16: {  	p0 =	sne.s32 s20, s6;
	_ =	swait.ge [sflag:s19], $0x4000  }
.Ltmp1:
0x17: {  	[sflag:s19] =	ssyncset.done $0x0;
	(pc) =	sbr.rel @!p0 .LBB2_5-.Ltmp1, $4  }
0x18: {  	[sflag:s19] =	ssyncadd.s32 $0xFFFFC000  }
0x19: {  	_ =	swait.ge [sflag:s19], $0x4000  }
0x1a: {  	[sflag:s19] =	ssyncset.done $0x0  }
0x1b: {  	[sflag:s19] =	ssyncadd.s32 $0xFFFFC000  }
.LBB2_1:
0x1c: {  	[tilespmem:s3], [sflag:$0x3] =	stream.linear.gather [hbm4b:s5+s3], $0x1900, $0x38;
	[tilespmem:$0x15900] =	vst v63  }
0x1d: {  	_ =	swait.ge [sflag:s10], $0x1900  }
0x1e: {  	[sflag:s10] =	ssyncset.done $0x0  }
0x1f: {  	[sflag:s10] =	ssyncadd.s32 $0xFFFFE700  }
0x20: {  	[tilespmem:s12], [sflag:$0x1] =	stream.indirect.gather [hbm4b:s4+s11], $0x80, s3, s11, $0xb8;
	[tilespmem:$0x15900] =	vst v63  }
0x21: {  	_ = 	snop  }
0x22: {  	[tilespmem:s13], [sflag:$0x1] =	stream.indirect.gather [hbm4b:s4+s11], $0x80, s11, s11, $0xb8;
	[tilespmem:$0x15900] =	vst v63  }
0x23: {  	s21 =	simm.s32 $0xFFFFFFFE;
	s22 =	smov.u32 s2;
	s23 =	simm.s32 $0x0  }
0x24: {  	[tilespmem:s15], [sflag:$0x1] =	stream.indirect.gather [hbm4b:s4+s11], $0x80, s14, s11, $0xb8;
	[tilespmem:$0x15900] =	vst v63  }
.LBB2_2:
0x25: {  	_ =	swait.ge [sflag:s16], $0x4000  }
0x26: {  	p0 =	sgt.u32 s21, $0x2C;
	[sflag:s16] =	ssyncset.done $0x0  }
0x27: {  	s24 =	sadd.s32 s22, s7;
	s25 =	simm.s32 @!p0 $0x2;
	[sflag:s16] =	ssyncadd.s32 $0xFFFFC000  }
0x28: {  	[hbm4b:s24+s3] =	stream.linear.scatter [tilespmem:s12], [sflag:$0x2], $0x4000, $0x38;
	[tilespmem:$0x15900] =	vst v63  }
0x29: {  	_ =	swait.ge @!p0 [sflag:s25], $0x4000  }
0x2a: {  	[sflag:s25] =	ssyncset.done @!p0 $0x0  }
0x2b: {  	[sflag:s25] =	ssyncadd.s32 @!p0 $0xFFFFC000;
	s25 =	sshra.s32 @!p0 s23, $0x2  }
0x2c: {  	s26 =	simm.s32 @!p0 $0x80;
	s28 =	simm.s32 @!p0 $0xD900;
	s25 =	sadd.s32 @!p0 $0x180, s25  }
0x2d: {  	[tilespmem:s28], [sflag:$0x1] =	stream.indirect.gather @!p0 [hbm4b:s4+s26], $0x80, s25, s26, $0xb8;
	[tilespmem:$0x15900] =	vst v63  }
0x2e: {  	p0 =	sne.s32 s23, $0x0  }
0x2f: {  	s25 =	simm.s32 @!p0 $0x80;
	s26 =	simm.s32 @!p0 $0x180;
	s28 =	simm.s32 @!p0 $0xD900  }
0x30: {  	[tilespmem:s28], [sflag:$0x1] =	stream.indirect.gather @!p0 [hbm4b:s4+s25], $0x80, s26, s25, $0xb8;
	[tilespmem:$0x15900] =	vst v63  }
0x31: {  	s29 =	sadd.s32 $0x1, s21;
	_ =	swait.ge [sflag:s16], $0x4000  }
0x32: {  	p1 =	sgt.u32 s29, $0x2C;
	[sflag:s16] =	ssyncset.done $0x0  }
0x33: {  	s28 =	sadd.s32 $0x800, s24;
	s26 =	simm.s32 @!p1 $0x2;
	[sflag:s16] =	ssyncadd.s32 $0xFFFFC000  }
0x34: {  	[hbm4b:s28+s3] =	stream.linear.scatter [tilespmem:s13], [sflag:$0x2], $0x4000, $0x38;
	[tilespmem:$0x15900] =	vst v63  }
0x35: {  	_ =	swait.ge @!p1 [sflag:s26], $0x4000  }
0x36: {  	[sflag:s26] =	ssyncset.done @!p1 $0x0  }
0x37: {  	[sflag:s26] =	ssyncadd.s32 @!p1 $0xFFFFC000;
	s26 =	sshra.s32 @!p1 s23, $0x2  }
0x38: {  	s29 =	simm.s32 @!p1 $0x11900;
	s28 =	simm.s32 @!p1 $0x80;
	s26 =	sadd.s32 @!p1 $0x200, s26  }
0x39: {  	[tilespmem:s29], [sflag:$0x1] =	stream.indirect.gather @!p1 [hbm4b:s4+s28], $0x80, s26, s28, $0xb8;
	[tilespmem:$0x15900] =	vst v63  }
0x3a: {  	s26 =	simm.s32 @!p0 $0x200;
	s28 =	simm.s32 @!p0 $0x11900  }
0x3b: {  	[tilespmem:s28], [sflag:$0x1] =	stream.indirect.gather @!p0 [hbm4b:s4+s25], $0x80, s26, s25, $0xb8;
	[tilespmem:$0x15900] =	vst v63  }
0x3c: {  	_ =	swait.ge [sflag:s16], $0x4000  }
0x3d: {  	[sflag:s16] =	ssyncset.done $0x0  }
0x3e: {  	s24 =	sadd.s32 $0x1000, s24;
	p0 =	seq.s32 s23, $0x5A00;
	[sflag:s16] =	ssyncadd.s32 $0xFFFFC000  }
0x3f: {  	[hbm4b:s24+s3] =	stream.linear.scatter [tilespmem:s15], [sflag:$0x2], $0x4000, $0x38;
	[tilespmem:$0x15900] =	vst v63  }
0x40: {  	s24 =	simm.s32 @!p0 $0x2  }
0x41: {  	_ =	swait.ge @!p0 [sflag:s24], $0x4000  }
0x42: {  	s25 =	sshra.s32 @!p0 s23, $0x2;
	s28 =	simm.s32 @!p0 $0x80;
	[sflag:s24] =	ssyncset.done @!p0 $0x0  }
0x43: {  	s29 =	simm.s32 @!p0 $0x1900;
	s26 =	sadd.s32 @!p0 $0x280, s25;
	[sflag:s24] =	ssyncadd.s32 @!p0 $0xFFFFC000  }
0x44: {  	[tilespmem:s29], [sflag:$0x1] =	stream.indirect.gather @!p0 [hbm4b:s4+s28], $0x80, s26, s28, $0xb8;
	[tilespmem:$0x15900] =	vst v63  }
0x45: {  	_ =	swait.ge [sflag:s16], $0x4000  }
0x46: {  	[sflag:s16] =	ssyncset.done $0x0  }
0x47: {  	s30 =	sadd.s32 s22, s9;
	[sflag:s16] =	ssyncadd.s32 $0xFFFFC000  }
0x48: {  	[hbm4b:s30+s3] =	stream.linear.scatter [tilespmem:s17], [sflag:$0x2], $0x4000, $0x38;
	[tilespmem:$0x15900] =	vst v63  }
0x49: {  	_ =	swait.ge @!p0 [sflag:s24], $0x4000  }
0x4a: {  	[sflag:s24] =	ssyncset.done @!p0 $0x0  }
0x4b: {  	[sflag:s24] =	ssyncadd.s32 @!p0 $0xFFFFC000;
	s24 =	sadd.s32 @!p0 $0x300, s25;
	s25 =	simm.s32 @!p0 $0x5900  }
0x4c: {  	[tilespmem:s25], [sflag:$0x1] =	stream.indirect.gather @!p0 [hbm4b:s4+s28], $0x80, s24, s28, $0xb8;
	[tilespmem:$0x15900] =	vst v63  }
0x4d: {  	_ =	swait.ge [sflag:s16], $0x4000  }
0x4e: {  	[sflag:s16] =	ssyncset.done $0x0  }
.Ltmp2:
0x4f: {  	s31 =	sadd.s32 s22, s8;
	[sflag:s16] =	ssyncadd.s32 $0xFFFFC000;
	(pc) =	sbr.rel @p0 .LBB2_4-.Ltmp2, $4  }
0x50: {  	[hbm4b:s31+s3] =	stream.linear.scatter [tilespmem:s18], [sflag:$0x2], $0x4000, $0x38;
	[tilespmem:$0x15900] =	vst v63  }
0x51: {  	_ =	swait.ge [sflag:s19], $0x4000  }
0x52: {  	[sflag:s19] =	ssyncset.done $0x0  }
0x53: {  	[sflag:s19] =	ssyncadd.s32 $0xFFFFC000  }
.Ltmp3:
0x54: {  	(pc) =	sbr.rel .LBB2_2-.Ltmp3, $4  }
0x55: {  	_ = 	snop  }
0x56: {  	s24 =	sshra.s32 s23, $0x2;
	s23 =	sadd.s32 $0xA00, s23  }
0x57: {  	s22 =	sadd.s32 $0x2800, s22;
	s21 =	sadd.s32 $0x5, s21;
	s24 =	sadd.s32 $0x380, s24  }
0x58: {  	[tilespmem:s15], [sflag:$0x1] =	stream.indirect.gather [hbm4b:s4+s11], $0x80, s24, s11, $0xb8;
	[tilespmem:$0x15900] =	vst v63  }
.LBB2_5:
0x59: {  	_ =	sfence.sel $0x180000  }
0x5a: {  	[bflag:$0x0] =	sbarrier.arrive $0xFFFF  }
0x5b: {  	p0 =	sne.s32 s0, $0x0;
	_ =	strace $0x90000047  }
0x5c: {  	s0 =	sadd.s32 @!p0 $0x100000, s1;
	[bflag:$0x2] =	sbarrier.arrive $0xFFFF  }
0x5d: {  	[sflag:s0] =	ssyncadd.tile.s32 @!p0 $0x1;
	_ =	shalt  }
.Lfunc_end2:
_tile_overlayer_lowered:
.L_overlay_start_2:
0x5e: {  	(tag) =	ssettag $0x2  }
0x5f: {  	s0 =	rddreg [dreg:$0x0];
	s2 =	stileid.u32  }
0x60: {  	s1 =	rddreg [dreg:$0x1];
	p0 =	sne.s32 s2, $0x0  }
0x61: {  	s3 =	rddreg [dreg:$0x2];
	[bflag:$0x3] =	sbarrier.arrive $0xFFFF;
	s2 =	simm.s32 @!p0 $0x1C03  }
0x62: {  	[timem:s3], [sflag:s2] =	dma.local @!p0 [hbm:s0], s1  }
0x63: {  	s0 =	simm.s32 @!p0 $0x3  }
0x64: {  	_ =	swait.ge @!p0 [sflag:s0], s1  }
0x65: {  	s1 =	ssub.s32 @!p0 $0x0, s1;
	[sflag:s0] =	ssyncset.done @!p0 $0x0  }
0x66: {  	[sflag:s0] =	ssyncadd.s32 @!p0 s1  }
0x67: {  	[bflag:$0x3] =	sbarrier.arrive $0xFFFF  }
0x68: {  	_ =	shalt  }

</sc_bundles>
